<compile_context>
chip_gen: v7x
topology: tpu7x:2x2x1
jax: 0.10.2.dev20260603
libtpu: 0.0.44.dev20260713+nightly
codegen_flags: <defaults>
</compile_context>

<pallas_src>
import functools

import jax
import jax.numpy as jnp
from jax import lax
from jax.experimental import pallas as pl
from jax.experimental.pallas import tpu as pltpu
from jax.experimental.pallas import tpu_sc as plsc

_NC = 2
_NS = 16
_NW = _NC * _NS
_LANES = 16

_CHUNK = 20480
_UNROLL = 16


def _sc_lookup(sym_flat, tre, tim):
    n = sym_flat.shape[0]
    n_per_w = n // _NW
    n_chunks = n_per_w // _CHUNK
    assert n_per_w * _NW == n and n_chunks * _CHUNK == n_per_w

    mesh = plsc.VectorSubcoreMesh(core_axis_name="c", subcore_axis_name="s")

    @functools.partial(
        pl.kernel,
        out_type=(
            jax.ShapeDtypeStruct((n,), jnp.float32),
            jax.ShapeDtypeStruct((n,), jnp.float32),
        ),
        mesh=mesh,
        compiler_params=pltpu.CompilerParams(needs_layout_passes=False),
        scratch_types=[
            pltpu.VMEM((_LANES,), jnp.float32),
            pltpu.VMEM((_LANES,), jnp.float32),
            pltpu.VMEM((_CHUNK,), jnp.int32),
            pltpu.VMEM((_CHUNK,), jnp.int32),
            pltpu.VMEM((_CHUNK,), jnp.float32),
            pltpu.VMEM((_CHUNK,), jnp.float32),
            pltpu.VMEM((_CHUNK,), jnp.float32),
            pltpu.VMEM((_CHUNK,), jnp.float32),
            pltpu.SemaphoreType.DMA,
            pltpu.SemaphoreType.DMA,
            pltpu.SemaphoreType.DMA,
            pltpu.SemaphoreType.DMA,
            pltpu.SemaphoreType.DMA,
            pltpu.SemaphoreType.DMA,
        ],
    )
    def k(sym_hbm, tre_hbm, tim_hbm, re_hbm, im_hbm,
          tre_v, tim_v, idx0, idx1, re0, re1, im0, im1,
          sin0, sin1, sre0, sre1, sim0, sim1):
        wid = lax.axis_index("s") * _NC + lax.axis_index("c")
        base = wid * n_per_w
        pltpu.sync_copy(tre_hbm, tre_v)
        pltpu.sync_copy(tim_hbm, tim_v)

        idx_b = [idx0, idx1]
        re_b = [re0, re1]
        im_b = [im0, im1]
        sin = [sin0, sin1]
        sre = [sre0, sre1]
        sim = [sim0, sim1]
        h_in = [None, None]
        h_re = [None, None]
        h_im = [None, None]

        h_in[0] = pltpu.async_copy(
            sym_hbm.at[pl.ds(base, _CHUNK)], idx_b[0], sin[0])

        for c in range(n_chunks):
            p = c % 2
            h_in[p].wait()
            if c + 1 < n_chunks:
                off_next = base + (c + 1) * _CHUNK
                h_in[1 - p] = pltpu.async_copy(
                    sym_hbm.at[pl.ds(off_next, _CHUNK)],
                    idx_b[1 - p], sin[1 - p])
            if c >= 2:
                h_re[p].wait()
                h_im[p].wait()

            @plsc.parallel_loop(0, _CHUNK // _LANES, unroll=_UNROLL)
            def _gather(i, _idx=idx_b[p], _re=re_b[p], _im=im_b[p]):
                s = i * _LANES
                idx = _idx[pl.ds(s, _LANES)]
                _re[pl.ds(s, _LANES)] = plsc.load_gather(tre_v, [idx])
                _im[pl.ds(s, _LANES)] = plsc.load_gather(tim_v, [idx])

            off = base + c * _CHUNK
            h_re[p] = pltpu.async_copy(
                re_b[p], re_hbm.at[pl.ds(off, _CHUNK)], sre[p])
            h_im[p] = pltpu.async_copy(
                im_b[p], im_hbm.at[pl.ds(off, _CHUNK)], sim[p])

        for p in range(min(2, n_chunks)):
            h_re[p].wait()
            h_im[p].wait()

    return k(sym_flat, tre, tim)


def kernel(symbols, embedding):
    b, l = symbols.shape
    n = b * l
    lt, bt = l // 8, b // 128
    sym = (
        symbols.T.reshape(lt, 8, bt, 128)
        .transpose(0, 2, 1, 3)
        .reshape(n)
        .astype(jnp.int32)
    )
    re, im = _sc_lookup(sym, embedding[:, 0], embedding[:, 1])

    def untile(p):
        return p.reshape(lt, bt, 8, 128).transpose(0, 2, 1, 3).reshape(l, b)

    return lax.complex(untile(re), untile(im)).T

# --- scband reference (transcript-rebuilt; emitter-appended) ---
"""Pipeline reference for scband-constellation-mapper-13554916786588 (READ-ONLY COPY).

The authoritative reference and input builder live on the scoring server;
editing this copy changes nothing except your own understanding.
"""

import jax, jax.numpy as jnp
import numpy as np

M = 16

def setup_inputs(seed: int = 0) -> dict:
    key = jax.random.key(seed)
    k1, k2 = jax.random.split(key)
    symbols = jax.random.randint(k1, (16384, 200), 0, M)
    embedding = jax.random.normal(k2, (M, 2), dtype=jnp.float32)
    return {"symbols": symbols, "embedding": embedding}


def reference(symbols, embedding):
    # nn.Embedding lookup: gather rows of the table
    emb = jnp.take(embedding, symbols, axis=0)  # [B, L, 2]
    # torch.view_as_complex: last dim (real, imag) -> complex
    return jax.lax.complex(emb[..., 0], emb[..., 1])  # complex64 [B, L]

if __name__ == "__main__":
    import jax
    _d = setup_inputs()
    print(jax.jit(kernel)(*tuple(_d.values())))

</pallas_src>

<mosaic_0001>
#map = affine_map<(d0, d1) -> (0)>
module attributes {stable_mosaic.version = 14 : i64} {
  func.func @k(%arg0: i32, %arg1: i32, %arg2: memref<3276800xi32, #tpu.memory_space<hbm>>, %arg3: memref<16xf32, #tpu.memory_space<hbm>>, %arg4: memref<16xf32, #tpu.memory_space<hbm>>, %arg5: memref<3276800xf32, #tpu.memory_space<hbm>>, %arg6: memref<3276800xf32, #tpu.memory_space<hbm>>, %arg7: memref<16xf32, #tpu.memory_space<vmem>>, %arg8: memref<16xf32, #tpu.memory_space<vmem>>, %arg9: memref<20480xi32, #tpu.memory_space<vmem>>, %arg10: memref<20480xi32, #tpu.memory_space<vmem>>, %arg11: memref<20480xf32, #tpu.memory_space<vmem>>, %arg12: memref<20480xf32, #tpu.memory_space<vmem>>, %arg13: memref<20480xf32, #tpu.memory_space<vmem>>, %arg14: memref<20480xf32, #tpu.memory_space<vmem>>, %arg15: memref<!tpu.dma_semaphore, #tpu.memory_space<semaphore_mem>>, %arg16: memref<!tpu.dma_semaphore, #tpu.memory_space<semaphore_mem>>, %arg17: memref<!tpu.dma_semaphore, #tpu.memory_space<semaphore_mem>>, %arg18: memref<!tpu.dma_semaphore, #tpu.memory_space<semaphore_mem>>, %arg19: memref<!tpu.dma_semaphore, #tpu.memory_space<semaphore_mem>>, %arg20: memref<!tpu.dma_semaphore, #tpu.memory_space<semaphore_mem>>) attributes {dimension_semantics = [#tpu.dimension_semantics<core_parallel>, #tpu.dimension_semantics<subcore_parallel>], iteration_bounds = array<i64: 2, 16>, scalar_prefetch = 0 : i64, scratch_operands = 14 : i64, tpu.core_type = #tpu.core_type<sc_vector_subcore>, window_params = [{transform_indices = #map}, {transform_indices = #map}, {transform_indices = #map}, {transform_indices = #map}, {transform_indices = #map}]} {
    %mul3A = arith.constant 2 : i32
    %mul3A_0 = arith.muli %arg1, %mul3A : i32
    %add3A = arith.addi %mul3A_0, %arg0 : i32
    %mul3A_1 = arith.constant 102400 : i32
    %mul3A_2 = arith.muli %add3A, %mul3A_1 : i32
    "tpu.region"() ({
      %run_scoped3A = tpu.sem_alloc : memref<!tpu.dma_semaphore, #tpu.memory_space<semaphore_mem>>
      tpu.enqueue_dma source(%arg3 : memref<16xf32, #tpu.memory_space<hbm>>) target(%arg7 : memref<16xf32, #tpu.memory_space<vmem>>) target_semaphore(%run_scoped3A : memref<!tpu.dma_semaphore, #tpu.memory_space<semaphore_mem>>)
      tpu.wait_dma2 semaphore(%run_scoped3A : memref<!tpu.dma_semaphore, #tpu.memory_space<semaphore_mem>>) src(%arg3 : memref<16xf32, #tpu.memory_space<hbm>>) dst(%arg7 : memref<16xf32, #tpu.memory_space<vmem>>)
      tpu.yield
    }) : () -> ()
    "tpu.region"() ({
      %run_scoped3A = tpu.sem_alloc : memref<!tpu.dma_semaphore, #tpu.memory_space<semaphore_mem>>
      tpu.enqueue_dma source(%arg4 : memref<16xf32, #tpu.memory_space<hbm>>) target(%arg8 : memref<16xf32, #tpu.memory_space<vmem>>) target_semaphore(%run_scoped3A : memref<!tpu.dma_semaphore, #tpu.memory_space<semaphore_mem>>)
      tpu.wait_dma2 semaphore(%run_scoped3A : memref<!tpu.dma_semaphore, #tpu.memory_space<semaphore_mem>>) src(%arg4 : memref<16xf32, #tpu.memory_space<hbm>>) dst(%arg8 : memref<16xf32, #tpu.memory_space<vmem>>)
      tpu.yield
    }) : () -> ()
    %dma_start3A = tpu.memref_slice %arg2[%mul3A_2] : memref<3276800xi32, #tpu.memory_space<hbm>> -> memref<20480xi32, #tpu.memory_space<hbm>>
    %dma_start3A_3 = tpu.memref_slice %arg2[%mul3A_2] : memref<3276800xi32, #tpu.memory_space<hbm>> -> memref<20480xi32, #tpu.memory_space<hbm>>
    tpu.enqueue_dma source(%dma_start3A_3 : memref<20480xi32, #tpu.memory_space<hbm>>) target(%arg9 : memref<20480xi32, #tpu.memory_space<vmem>>) target_semaphore(%arg15 : memref<!tpu.dma_semaphore, #tpu.memory_space<semaphore_mem>>)
    %dma_wait3A = tpu.memref_slice %arg2[%mul3A_2] : memref<3276800xi32, #tpu.memory_space<hbm>> -> memref<20480xi32, #tpu.memory_space<hbm>>
    %dma_wait3A_4 = tpu.memref_slice %arg2[%mul3A_2] : memref<3276800xi32, #tpu.memory_space<hbm>> -> memref<20480xi32, #tpu.memory_space<hbm>>
    tpu.wait_dma2 semaphore(%arg15 : memref<!tpu.dma_semaphore, #tpu.memory_space<semaphore_mem>>) src(%dma_wait3A_4 : memref<20480xi32, #tpu.memory_space<hbm>>) dst(%arg9 : memref<20480xi32, #tpu.memory_space<vmem>>)
    %add3A_5 = arith.constant 20480 : i32
    %add3A_6 = arith.addi %mul3A_2, %add3A_5 : i32
    %dma_start3A_7 = tpu.memref_slice %arg2[%add3A_6] : memref<3276800xi32, #tpu.memory_space<hbm>> -> memref<20480xi32, #tpu.memory_space<hbm>>
    %dma_start3A_8 = tpu.memref_slice %arg2[%add3A_6] : memref<3276800xi32, #tpu.memory_space<hbm>> -> memref<20480xi32, #tpu.memory_space<hbm>>
    tpu.enqueue_dma source(%dma_start3A_8 : memref<20480xi32, #tpu.memory_space<hbm>>) target(%arg10 : memref<20480xi32, #tpu.memory_space<vmem>>) target_semaphore(%arg16 : memref<!tpu.dma_semaphore, #tpu.memory_space<semaphore_mem>>)
    %parallel_loop3A = arith.constant 0 : i32
    %parallel_loop3A_9 = arith.constant 1280 : i32
    %parallel_loop3A_10 = arith.constant 1 : i32
    scf.for %parallel_loop3A_93 = %parallel_loop3A to %parallel_loop3A_9 step %parallel_loop3A_10  : i32 {
      %parallel_loop3A_94 = arith.constant 16 : i32
      %parallel_loop3A_95 = arith.muli %parallel_loop3A_93, %parallel_loop3A_94 : i32
      %parallel_loop3A_96 = arith.index_cast %parallel_loop3A_95 : i32 to index
      %parallel_loop3A_97 = tpu.vector_load %arg9[%parallel_loop3A_96] {strides = array<i32>} : memref<20480xi32, #tpu.memory_space<vmem>>, vector<16xi32>,
      %parallel_loop3A_98 = tpu.vector_load_idx %arg7[%parallel_loop3A_97] : memref<16xf32, #tpu.memory_space<vmem>>[vector<16xi32>], vector<16xf32>,
      %parallel_loop3A_99 = arith.index_cast %parallel_loop3A_95 : i32 to index
      %parallel_loop3A_100 = tpu.vector_load %arg11[%parallel_loop3A_99] {strides = array<i32>} : memref<20480xf32, #tpu.memory_space<vmem>>, vector<16xf32>,
      tpu.vector_store %arg11[%parallel_loop3A_99], %parallel_loop3A_98 {strides = array<i32>} : memref<20480xf32, #tpu.memory_space<vmem>>, vector<16xf32>,
      %parallel_loop3A_101 = tpu.vector_load_idx %arg8[%parallel_loop3A_97] : memref<16xf32, #tpu.memory_space<vmem>>[vector<16xi32>], vector<16xf32>,
      %parallel_loop3A_102 = arith.index_cast %parallel_loop3A_95 : i32 to index
      %parallel_loop3A_103 = tpu.vector_load %arg13[%parallel_loop3A_102] {strides = array<i32>} : memref<20480xf32, #tpu.memory_space<vmem>>, vector<16xf32>,
      tpu.vector_store %arg13[%parallel_loop3A_102], %parallel_loop3A_101 {strides = array<i32>} : memref<20480xf32, #tpu.memory_space<vmem>>, vector<16xf32>,
    } {sc.loop_unroll_factor = 16 : i64, sc.parallel_access}
    %add3A_11 = arith.constant 0 : i32
    %add3A_12 = arith.addi %mul3A_2, %add3A_11 : i32
    %dma_start3A_13 = tpu.memref_slice %arg5[%add3A_12] : memref<3276800xf32, #tpu.memory_space<hbm>> -> memref<20480xf32, #tpu.memory_space<hbm>>
    %dma_start3A_14 = tpu.memref_slice %arg5[%add3A_12] : memref<3276800xf32, #tpu.memory_space<hbm>> -> memref<20480xf32, #tpu.memory_space<hbm>>
    tpu.enqueue_dma source(%arg11 : memref<20480xf32, #tpu.memory_space<vmem>>) target(%dma_start3A_14 : memref<20480xf32, #tpu.memory_space<hbm>>) target_semaphore(%arg17 : memref<!tpu.dma_semaphore, #tpu.memory_space<semaphore_mem>>)
    %dma_start3A_15 = tpu.memref_slice %arg6[%add3A_12] : memref<3276800xf32, #tpu.memory_space<hbm>> -> memref<20480xf32, #tpu.memory_space<hbm>>
    %dma_start3A_16 = tpu.memref_slice %arg6[%add3A_12] : memref<3276800xf32, #tpu.memory_space<hbm>> -> memref<20480xf32, #tpu.memory_space<hbm>>
    tpu.enqueue_dma source(%arg13 : memref<20480xf32, #tpu.memory_space<vmem>>) target(%dma_start3A_16 : memref<20480xf32, #tpu.memory_space<hbm>>) target_semaphore(%arg19 : memref<!tpu.dma_semaphore, #tpu.memory_space<semaphore_mem>>)
    %dma_wait3A_17 = tpu.memref_slice %arg2[%add3A_6] : memref<3276800xi32, #tpu.memory_space<hbm>> -> memref<20480xi32, #tpu.memory_space<hbm>>
    %dma_wait3A_18 = tpu.memref_slice %arg2[%add3A_6] : memref<3276800xi32, #tpu.memory_space<hbm>> -> memref<20480xi32, #tpu.memory_space<hbm>>
    tpu.wait_dma2 semaphore(%arg16 : memref<!tpu.dma_semaphore, #tpu.memory_space<semaphore_mem>>) src(%dma_wait3A_18 : memref<20480xi32, #tpu.memory_space<hbm>>) dst(%arg10 : memref<20480xi32, #tpu.memory_space<vmem>>)
    %add3A_19 = arith.constant 40960 : i32
    %add3A_20 = arith.addi %mul3A_2, %add3A_19 : i32
    %dma_start3A_21 = tpu.memref_slice %arg2[%add3A_20] : memref<3276800xi32, #tpu.memory_space<hbm>> -> memref<20480xi32, #tpu.memory_space<hbm>>
    %dma_start3A_22 = tpu.memref_slice %arg2[%add3A_20] : memref<3276800xi32, #tpu.memory_space<hbm>> -> memref<20480xi32, #tpu.memory_space<hbm>>
    tpu.enqueue_dma source(%dma_start3A_22 : memref<20480xi32, #tpu.memory_space<hbm>>) target(%arg9 : memref<20480xi32, #tpu.memory_space<vmem>>) target_semaphore(%arg15 : memref<!tpu.dma_semaphore, #tpu.memory_space<semaphore_mem>>)
    %parallel_loop3A_23 = arith.constant 0 : i32
    %parallel_loop3A_24 = arith.constant 1280 : i32
    %parallel_loop3A_25 = arith.constant 1 : i32
    scf.for %parallel_loop3A_93 = %parallel_loop3A_23 to %parallel_loop3A_24 step %parallel_loop3A_25  : i32 {
      %parallel_loop3A_94 = arith.constant 16 : i32
      %parallel_loop3A_95 = arith.muli %parallel_loop3A_93, %parallel_loop3A_94 : i32
      %parallel_loop3A_96 = arith.index_cast %parallel_loop3A_95 : i32 to index
      %parallel_loop3A_97 = tpu.vector_load %arg10[%parallel_loop3A_96] {strides = array<i32>} : memref<20480xi32, #tpu.memory_space<vmem>>, vector<16xi32>,
      %parallel_loop3A_98 = tpu.vector_load_idx %arg7[%parallel_loop3A_97] : memref<16xf32, #tpu.memory_space<vmem>>[vector<16xi32>], vector<16xf32>,
      %parallel_loop3A_99 = arith.index_cast %parallel_loop3A_95 : i32 to index
      %parallel_loop3A_100 = tpu.vector_load %arg12[%parallel_loop3A_99] {strides = array<i32>} : memref<20480xf32, #tpu.memory_space<vmem>>, vector<16xf32>,
      tpu.vector_store %arg12[%parallel_loop3A_99], %parallel_loop3A_98 {strides = array<i32>} : memref<20480xf32, #tpu.memory_space<vmem>>, vector<16xf32>,
      %parallel_loop3A_101 = tpu.vector_load_idx %arg8[%parallel_loop3A_97] : memref<16xf32, #tpu.memory_space<vmem>>[vector<16xi32>], vector<16xf32>,
      %parallel_loop3A_102 = arith.index_cast %parallel_loop3A_95 : i32 to index
      %parallel_loop3A_103 = tpu.vector_load %arg14[%parallel_loop3A_102] {strides = array<i32>} : memref<20480xf32, #tpu.memory_space<vmem>>, vector<16xf32>,
      tpu.vector_store %arg14[%parallel_loop3A_102], %parallel_loop3A_101 {strides = array<i32>} : memref<20480xf32, #tpu.memory_space<vmem>>, vector<16xf32>,
    } {sc.loop_unroll_factor = 16 : i64, sc.parallel_access}
    %add3A_26 = arith.constant 20480 : i32
    %add3A_27 = arith.addi %mul3A_2, %add3A_26 : i32
    %dma_start3A_28 = tpu.memref_slice %arg5[%add3A_27] : memref<3276800xf32, #tpu.memory_space<hbm>> -> memref<20480xf32, #tpu.memory_space<hbm>>
    %dma_start3A_29 = tpu.memref_slice %arg5[%add3A_27] : memref<3276800xf32, #tpu.memory_space<hbm>> -> memref<20480xf32, #tpu.memory_space<hbm>>
    tpu.enqueue_dma source(%arg12 : memref<20480xf32, #tpu.memory_space<vmem>>) target(%dma_start3A_29 : memref<20480xf32, #tpu.memory_space<hbm>>) target_semaphore(%arg18 : memref<!tpu.dma_semaphore, #tpu.memory_space<semaphore_mem>>)
    %dma_start3A_30 = tpu.memref_slice %arg6[%add3A_27] : memref<3276800xf32, #tpu.memory_space<hbm>> -> memref<20480xf32, #tpu.memory_space<hbm>>
    %dma_start3A_31 = tpu.memref_slice %arg6[%add3A_27] : memref<3276800xf32, #tpu.memory_space<hbm>> -> memref<20480xf32, #tpu.memory_space<hbm>>
    tpu.enqueue_dma source(%arg14 : memref<20480xf32, #tpu.memory_space<vmem>>) target(%dma_start3A_31 : memref<20480xf32, #tpu.memory_space<hbm>>) target_semaphore(%arg20 : memref<!tpu.dma_semaphore, #tpu.memory_space<semaphore_mem>>)
    %dma_wait3A_32 = tpu.memref_slice %arg2[%add3A_20] : memref<3276800xi32, #tpu.memory_space<hbm>> -> memref<20480xi32, #tpu.memory_space<hbm>>
    %dma_wait3A_33 = tpu.memref_slice %arg2[%add3A_20] : memref<3276800xi32, #tpu.memory_space<hbm>> -> memref<20480xi32, #tpu.memory_space<hbm>>
    tpu.wait_dma2 semaphore(%arg15 : memref<!tpu.dma_semaphore, #tpu.memory_space<semaphore_mem>>) src(%dma_wait3A_33 : memref<20480xi32, #tpu.memory_space<hbm>>) dst(%arg9 : memref<20480xi32, #tpu.memory_space<vmem>>)
    %add3A_34 = arith.constant 61440 : i32
    %add3A_35 = arith.addi %mul3A_2, %add3A_34 : i32
    %dma_start3A_36 = tpu.memref_slice %arg2[%add3A_35] : memref<3276800xi32, #tpu.memory_space<hbm>> -> memref<20480xi32, #tpu.memory_space<hbm>>
    %dma_start3A_37 = tpu.memref_slice %arg2[%add3A_35] : memref<3276800xi32, #tpu.memory_space<hbm>> -> memref<20480xi32, #tpu.memory_space<hbm>>
    tpu.enqueue_dma source(%dma_start3A_37 : memref<20480xi32, #tpu.memory_space<hbm>>) target(%arg10 : memref<20480xi32, #tpu.memory_space<vmem>>) target_semaphore(%arg16 : memref<!tpu.dma_semaphore, #tpu.memory_space<semaphore_mem>>)
    %dma_wait3A_38 = tpu.memref_slice %arg5[%add3A_12] : memref<3276800xf32, #tpu.memory_space<hbm>> -> memref<20480xf32, #tpu.memory_space<hbm>>
    %dma_wait3A_39 = tpu.memref_slice %arg5[%add3A_12] : memref<3276800xf32, #tpu.memory_space<hbm>> -> memref<20480xf32, #tpu.memory_space<hbm>>
    tpu.wait_dma2 semaphore(%arg17 : memref<!tpu.dma_semaphore, #tpu.memory_space<semaphore_mem>>) src(%arg11 : memref<20480xf32, #tpu.memory_space<vmem>>) dst(%dma_wait3A_39 : memref<20480xf32, #tpu.memory_space<hbm>>)
    %dma_wait3A_40 = tpu.memref_slice %arg6[%add3A_12] : memref<3276800xf32, #tpu.memory_space<hbm>> -> memref<20480xf32, #tpu.memory_space<hbm>>
    %dma_wait3A_41 = tpu.memref_slice %arg6[%add3A_12] : memref<3276800xf32, #tpu.memory_space<hbm>> -> memref<20480xf32, #tpu.memory_space<hbm>>
    tpu.wait_dma2 semaphore(%arg19 : memref<!tpu.dma_semaphore, #tpu.memory_space<semaphore_mem>>) src(%arg13 : memref<20480xf32, #tpu.memory_space<vmem>>) dst(%dma_wait3A_41 : memref<20480xf32, #tpu.memory_space<hbm>>)
    %parallel_loop3A_42 = arith.constant 0 : i32
    %parallel_loop3A_43 = arith.constant 1280 : i32
    %parallel_loop3A_44 = arith.constant 1 : i32
    scf.for %parallel_loop3A_93 = %parallel_loop3A_42 to %parallel_loop3A_43 step %parallel_loop3A_44  : i32 {
      %parallel_loop3A_94 = arith.constant 16 : i32
      %parallel_loop3A_95 = arith.muli %parallel_loop3A_93, %parallel_loop3A_94 : i32
      %parallel_loop3A_96 = arith.index_cast %parallel_loop3A_95 : i32 to index
      %parallel_loop3A_97 = tpu.vector_load %arg9[%parallel_loop3A_96] {strides = array<i32>} : memref<20480xi32, #tpu.memory_space<vmem>>, vector<16xi32>,
      %parallel_loop3A_98 = tpu.vector_load_idx %arg7[%parallel_loop3A_97] : memref<16xf32, #tpu.memory_space<vmem>>[vector<16xi32>], vector<16xf32>,
      %parallel_loop3A_99 = arith.index_cast %parallel_loop3A_95 : i32 to index
      %parallel_loop3A_100 = tpu.vector_load %arg11[%parallel_loop3A_99] {strides = array<i32>} : memref<20480xf32, #tpu.memory_space<vmem>>, vector<16xf32>,
      tpu.vector_store %arg11[%parallel_loop3A_99], %parallel_loop3A_98 {strides = array<i32>} : memref<20480xf32, #tpu.memory_space<vmem>>, vector<16xf32>,
      %parallel_loop3A_101 = tpu.vector_load_idx %arg8[%parallel_loop3A_97] : memref<16xf32, #tpu.memory_space<vmem>>[vector<16xi32>], vector<16xf32>,
      %parallel_loop3A_102 = arith.index_cast %parallel_loop3A_95 : i32 to index
      %parallel_loop3A_103 = tpu.vector_load %arg13[%parallel_loop3A_102] {strides = array<i32>} : memref<20480xf32, #tpu.memory_space<vmem>>, vector<16xf32>,
      tpu.vector_store %arg13[%parallel_loop3A_102], %parallel_loop3A_101 {strides = array<i32>} : memref<20480xf32, #tpu.memory_space<vmem>>, vector<16xf32>,
    } {sc.loop_unroll_factor = 16 : i64, sc.parallel_access}
    %add3A_45 = arith.constant 40960 : i32
    %add3A_46 = arith.addi %mul3A_2, %add3A_45 : i32
    %dma_start3A_47 = tpu.memref_slice %arg5[%add3A_46] : memref<3276800xf32, #tpu.memory_space<hbm>> -> memref<20480xf32, #tpu.memory_space<hbm>>
    %dma_start3A_48 = tpu.memref_slice %arg5[%add3A_46] : memref<3276800xf32, #tpu.memory_space<hbm>> -> memref<20480xf32, #tpu.memory_space<hbm>>
    tpu.enqueue_dma source(%arg11 : memref<20480xf32, #tpu.memory_space<vmem>>) target(%dma_start3A_48 : memref<20480xf32, #tpu.memory_space<hbm>>) target_semaphore(%arg17 : memref<!tpu.dma_semaphore, #tpu.memory_space<semaphore_mem>>)
    %dma_start3A_49 = tpu.memref_slice %arg6[%add3A_46] : memref<3276800xf32, #tpu.memory_space<hbm>> -> memref<20480xf32, #tpu.memory_space<hbm>>
    %dma_start3A_50 = tpu.memref_slice %arg6[%add3A_46] : memref<3276800xf32, #tpu.memory_space<hbm>> -> memref<20480xf32, #tpu.memory_space<hbm>>
    tpu.enqueue_dma source(%arg13 : memref<20480xf32, #tpu.memory_space<vmem>>) target(%dma_start3A_50 : memref<20480xf32, #tpu.memory_space<hbm>>) target_semaphore(%arg19 : memref<!tpu.dma_semaphore, #tpu.memory_space<semaphore_mem>>)
    %dma_wait3A_51 = tpu.memref_slice %arg2[%add3A_35] : memref<3276800xi32, #tpu.memory_space<hbm>> -> memref<20480xi32, #tpu.memory_space<hbm>>
    %dma_wait3A_52 = tpu.memref_slice %arg2[%add3A_35] : memref<3276800xi32, #tpu.memory_space<hbm>> -> memref<20480xi32, #tpu.memory_space<hbm>>
    tpu.wait_dma2 semaphore(%arg16 : memref<!tpu.dma_semaphore, #tpu.memory_space<semaphore_mem>>) src(%dma_wait3A_52 : memref<20480xi32, #tpu.memory_space<hbm>>) dst(%arg10 : memref<20480xi32, #tpu.memory_space<vmem>>)
    %add3A_53 = arith.constant 81920 : i32
    %add3A_54 = arith.addi %mul3A_2, %add3A_53 : i32
    %dma_start3A_55 = tpu.memref_slice %arg2[%add3A_54] : memref<3276800xi32, #tpu.memory_space<hbm>> -> memref<20480xi32, #tpu.memory_space<hbm>>
    %dma_start3A_56 = tpu.memref_slice %arg2[%add3A_54] : memref<3276800xi32, #tpu.memory_space<hbm>> -> memref<20480xi32, #tpu.memory_space<hbm>>
    tpu.enqueue_dma source(%dma_start3A_56 : memref<20480xi32, #tpu.memory_space<hbm>>) target(%arg9 : memref<20480xi32, #tpu.memory_space<vmem>>) target_semaphore(%arg15 : memref<!tpu.dma_semaphore, #tpu.memory_space<semaphore_mem>>)
    %dma_wait3A_57 = tpu.memref_slice %arg5[%add3A_27] : memref<3276800xf32, #tpu.memory_space<hbm>> -> memref<20480xf32, #tpu.memory_space<hbm>>
    %dma_wait3A_58 = tpu.memref_slice %arg5[%add3A_27] : memref<3276800xf32, #tpu.memory_space<hbm>> -> memref<20480xf32, #tpu.memory_space<hbm>>
    tpu.wait_dma2 semaphore(%arg18 : memref<!tpu.dma_semaphore, #tpu.memory_space<semaphore_mem>>) src(%arg12 : memref<20480xf32, #tpu.memory_space<vmem>>) dst(%dma_wait3A_58 : memref<20480xf32, #tpu.memory_space<hbm>>)
    %dma_wait3A_59 = tpu.memref_slice %arg6[%add3A_27] : memref<3276800xf32, #tpu.memory_space<hbm>> -> memref<20480xf32, #tpu.memory_space<hbm>>
    %dma_wait3A_60 = tpu.memref_slice %arg6[%add3A_27] : memref<3276800xf32, #tpu.memory_space<hbm>> -> memref<20480xf32, #tpu.memory_space<hbm>>
    tpu.wait_dma2 semaphore(%arg20 : memref<!tpu.dma_semaphore, #tpu.memory_space<semaphore_mem>>) src(%arg14 : memref<20480xf32, #tpu.memory_space<vmem>>) dst(%dma_wait3A_60 : memref<20480xf32, #tpu.memory_space<hbm>>)
    %parallel_loop3A_61 = arith.constant 0 : i32
    %parallel_loop3A_62 = arith.constant 1280 : i32
    %parallel_loop3A_63 = arith.constant 1 : i32
    scf.for %parallel_loop3A_93 = %parallel_loop3A_61 to %parallel_loop3A_62 step %parallel_loop3A_63  : i32 {
      %parallel_loop3A_94 = arith.constant 16 : i32
      %parallel_loop3A_95 = arith.muli %parallel_loop3A_93, %parallel_loop3A_94 : i32
      %parallel_loop3A_96 = arith.index_cast %parallel_loop3A_95 : i32 to index
      %parallel_loop3A_97 = tpu.vector_load %arg10[%parallel_loop3A_96] {strides = array<i32>} : memref<20480xi32, #tpu.memory_space<vmem>>, vector<16xi32>,
      %parallel_loop3A_98 = tpu.vector_load_idx %arg7[%parallel_loop3A_97] : memref<16xf32, #tpu.memory_space<vmem>>[vector<16xi32>], vector<16xf32>,
      %parallel_loop3A_99 = arith.index_cast %parallel_loop3A_95 : i32 to index
      %parallel_loop3A_100 = tpu.vector_load %arg12[%parallel_loop3A_99] {strides = array<i32>} : memref<20480xf32, #tpu.memory_space<vmem>>, vector<16xf32>,
      tpu.vector_store %arg12[%parallel_loop3A_99], %parallel_loop3A_98 {strides = array<i32>} : memref<20480xf32, #tpu.memory_space<vmem>>, vector<16xf32>,
      %parallel_loop3A_101 = tpu.vector_load_idx %arg8[%parallel_loop3A_97] : memref<16xf32, #tpu.memory_space<vmem>>[vector<16xi32>], vector<16xf32>,
      %parallel_loop3A_102 = arith.index_cast %parallel_loop3A_95 : i32 to index
      %parallel_loop3A_103 = tpu.vector_load %arg14[%parallel_loop3A_102] {strides = array<i32>} : memref<20480xf32, #tpu.memory_space<vmem>>, vector<16xf32>,
      tpu.vector_store %arg14[%parallel_loop3A_102], %parallel_loop3A_101 {strides = array<i32>} : memref<20480xf32, #tpu.memory_space<vmem>>, vector<16xf32>,
    } {sc.loop_unroll_factor = 16 : i64, sc.parallel_access}
    %add3A_64 = arith.constant 61440 : i32
    %add3A_65 = arith.addi %mul3A_2, %add3A_64 : i32
    %dma_start3A_66 = tpu.memref_slice %arg5[%add3A_65] : memref<3276800xf32, #tpu.memory_space<hbm>> -> memref<20480xf32, #tpu.memory_space<hbm>>
    %dma_start3A_67 = tpu.memref_slice %arg5[%add3A_65] : memref<3276800xf32, #tpu.memory_space<hbm>> -> memref<20480xf32, #tpu.memory_space<hbm>>
    tpu.enqueue_dma source(%arg12 : memref<20480xf32, #tpu.memory_space<vmem>>) target(%dma_start3A_67 : memref<20480xf32, #tpu.memory_space<hbm>>) target_semaphore(%arg18 : memref<!tpu.dma_semaphore, #tpu.memory_space<semaphore_mem>>)
    %dma_start3A_68 = tpu.memref_slice %arg6[%add3A_65] : memref<3276800xf32, #tpu.memory_space<hbm>> -> memref<20480xf32, #tpu.memory_space<hbm>>
    %dma_start3A_69 = tpu.memref_slice %arg6[%add3A_65] : memref<3276800xf32, #tpu.memory_space<hbm>> -> memref<20480xf32, #tpu.memory_space<hbm>>
    tpu.enqueue_dma source(%arg14 : memref<20480xf32, #tpu.memory_space<vmem>>) target(%dma_start3A_69 : memref<20480xf32, #tpu.memory_space<hbm>>) target_semaphore(%arg20 : memref<!tpu.dma_semaphore, #tpu.memory_space<semaphore_mem>>)
    %dma_wait3A_70 = tpu.memref_slice %arg2[%add3A_54] : memref<3276800xi32, #tpu.memory_space<hbm>> -> memref<20480xi32, #tpu.memory_space<hbm>>
    %dma_wait3A_71 = tpu.memref_slice %arg2[%add3A_54] : memref<3276800xi32, #tpu.memory_space<hbm>> -> memref<20480xi32, #tpu.memory_space<hbm>>
    tpu.wait_dma2 semaphore(%arg15 : memref<!tpu.dma_semaphore, #tpu.memory_space<semaphore_mem>>) src(%dma_wait3A_71 : memref<20480xi32, #tpu.memory_space<hbm>>) dst(%arg9 : memref<20480xi32, #tpu.memory_space<vmem>>)
    %dma_wait3A_72 = tpu.memref_slice %arg5[%add3A_46] : memref<3276800xf32, #tpu.memory_space<hbm>> -> memref<20480xf32, #tpu.memory_space<hbm>>
    %dma_wait3A_73 = tpu.memref_slice %arg5[%add3A_46] : memref<3276800xf32, #tpu.memory_space<hbm>> -> memref<20480xf32, #tpu.memory_space<hbm>>
    tpu.wait_dma2 semaphore(%arg17 : memref<!tpu.dma_semaphore, #tpu.memory_space<semaphore_mem>>) src(%arg11 : memref<20480xf32, #tpu.memory_space<vmem>>) dst(%dma_wait3A_73 : memref<20480xf32, #tpu.memory_space<hbm>>)
    %dma_wait3A_74 = tpu.memref_slice %arg6[%add3A_46] : memref<3276800xf32, #tpu.memory_space<hbm>> -> memref<20480xf32, #tpu.memory_space<hbm>>
    %dma_wait3A_75 = tpu.memref_slice %arg6[%add3A_46] : memref<3276800xf32, #tpu.memory_space<hbm>> -> memref<20480xf32, #tpu.memory_space<hbm>>
    tpu.wait_dma2 semaphore(%arg19 : memref<!tpu.dma_semaphore, #tpu.memory_space<semaphore_mem>>) src(%arg13 : memref<20480xf32, #tpu.memory_space<vmem>>) dst(%dma_wait3A_75 : memref<20480xf32, #tpu.memory_space<hbm>>)
    %parallel_loop3A_76 = arith.constant 0 : i32
    %parallel_loop3A_77 = arith.constant 1280 : i32
    %parallel_loop3A_78 = arith.constant 1 : i32
    scf.for %parallel_loop3A_93 = %parallel_loop3A_76 to %parallel_loop3A_77 step %parallel_loop3A_78  : i32 {
      %parallel_loop3A_94 = arith.constant 16 : i32
      %parallel_loop3A_95 = arith.muli %parallel_loop3A_93, %parallel_loop3A_94 : i32
      %parallel_loop3A_96 = arith.index_cast %parallel_loop3A_95 : i32 to index
      %parallel_loop3A_97 = tpu.vector_load %arg9[%parallel_loop3A_96] {strides = array<i32>} : memref<20480xi32, #tpu.memory_space<vmem>>, vector<16xi32>,
      %parallel_loop3A_98 = tpu.vector_load_idx %arg7[%parallel_loop3A_97] : memref<16xf32, #tpu.memory_space<vmem>>[vector<16xi32>], vector<16xf32>,
      %parallel_loop3A_99 = arith.index_cast %parallel_loop3A_95 : i32 to index
      %parallel_loop3A_100 = tpu.vector_load %arg11[%parallel_loop3A_99] {strides = array<i32>} : memref<20480xf32, #tpu.memory_space<vmem>>, vector<16xf32>,
      tpu.vector_store %arg11[%parallel_loop3A_99], %parallel_loop3A_98 {strides = array<i32>} : memref<20480xf32, #tpu.memory_space<vmem>>, vector<16xf32>,
      %parallel_loop3A_101 = tpu.vector_load_idx %arg8[%parallel_loop3A_97] : memref<16xf32, #tpu.memory_space<vmem>>[vector<16xi32>], vector<16xf32>,
      %parallel_loop3A_102 = arith.index_cast %parallel_loop3A_95 : i32 to index
      %parallel_loop3A_103 = tpu.vector_load %arg13[%parallel_loop3A_102] {strides = array<i32>} : memref<20480xf32, #tpu.memory_space<vmem>>, vector<16xf32>,
      tpu.vector_store %arg13[%parallel_loop3A_102], %parallel_loop3A_101 {strides = array<i32>} : memref<20480xf32, #tpu.memory_space<vmem>>, vector<16xf32>,
    } {sc.loop_unroll_factor = 16 : i64, sc.parallel_access}
    %add3A_79 = arith.constant 81920 : i32
    %add3A_80 = arith.addi %mul3A_2, %add3A_79 : i32
    %dma_start3A_81 = tpu.memref_slice %arg5[%add3A_80] : memref<3276800xf32, #tpu.memory_space<hbm>> -> memref<20480xf32, #tpu.memory_space<hbm>>
    %dma_start3A_82 = tpu.memref_slice %arg5[%add3A_80] : memref<3276800xf32, #tpu.memory_space<hbm>> -> memref<20480xf32, #tpu.memory_space<hbm>>
    tpu.enqueue_dma source(%arg11 : memref<20480xf32, #tpu.memory_space<vmem>>) target(%dma_start3A_82 : memref<20480xf32, #tpu.memory_space<hbm>>) target_semaphore(%arg17 : memref<!tpu.dma_semaphore, #tpu.memory_space<semaphore_mem>>)
    %dma_start3A_83 = tpu.memref_slice %arg6[%add3A_80] : memref<3276800xf32, #tpu.memory_space<hbm>> -> memref<20480xf32, #tpu.memory_space<hbm>>
    %dma_start3A_84 = tpu.memref_slice %arg6[%add3A_80] : memref<3276800xf32, #tpu.memory_space<hbm>> -> memref<20480xf32, #tpu.memory_space<hbm>>
    tpu.enqueue_dma source(%arg13 : memref<20480xf32, #tpu.memory_space<vmem>>) target(%dma_start3A_84 : memref<20480xf32, #tpu.memory_space<hbm>>) target_semaphore(%arg19 : memref<!tpu.dma_semaphore, #tpu.memory_space<semaphore_mem>>)
    %dma_wait3A_85 = tpu.memref_slice %arg5[%add3A_80] : memref<3276800xf32, #tpu.memory_space<hbm>> -> memref<20480xf32, #tpu.memory_space<hbm>>
    %dma_wait3A_86 = tpu.memref_slice %arg5[%add3A_80] : memref<3276800xf32, #tpu.memory_space<hbm>> -> memref<20480xf32, #tpu.memory_space<hbm>>
    tpu.wait_dma2 semaphore(%arg17 : memref<!tpu.dma_semaphore, #tpu.memory_space<semaphore_mem>>) src(%arg11 : memref<20480xf32, #tpu.memory_space<vmem>>) dst(%dma_wait3A_86 : memref<20480xf32, #tpu.memory_space<hbm>>)
    %dma_wait3A_87 = tpu.memref_slice %arg6[%add3A_80] : memref<3276800xf32, #tpu.memory_space<hbm>> -> memref<20480xf32, #tpu.memory_space<hbm>>
    %dma_wait3A_88 = tpu.memref_slice %arg6[%add3A_80] : memref<3276800xf32, #tpu.memory_space<hbm>> -> memref<20480xf32, #tpu.memory_space<hbm>>
    tpu.wait_dma2 semaphore(%arg19 : memref<!tpu.dma_semaphore, #tpu.memory_space<semaphore_mem>>) src(%arg13 : memref<20480xf32, #tpu.memory_space<vmem>>) dst(%dma_wait3A_88 : memref<20480xf32, #tpu.memory_space<hbm>>)
    %dma_wait3A_89 = tpu.memref_slice %arg5[%add3A_65] : memref<3276800xf32, #tpu.memory_space<hbm>> -> memref<20480xf32, #tpu.memory_space<hbm>>
    %dma_wait3A_90 = tpu.memref_slice %arg5[%add3A_65] : memref<3276800xf32, #tpu.memory_space<hbm>> -> memref<20480xf32, #tpu.memory_space<hbm>>
    tpu.wait_dma2 semaphore(%arg18 : memref<!tpu.dma_semaphore, #tpu.memory_space<semaphore_mem>>) src(%arg12 : memref<20480xf32, #tpu.memory_space<vmem>>) dst(%dma_wait3A_90 : memref<20480xf32, #tpu.memory_space<hbm>>)
    %dma_wait3A_91 = tpu.memref_slice %arg6[%add3A_65] : memref<3276800xf32, #tpu.memory_space<hbm>> -> memref<20480xf32, #tpu.memory_space<hbm>>
    %dma_wait3A_92 = tpu.memref_slice %arg6[%add3A_65] : memref<3276800xf32, #tpu.memory_space<hbm>> -> memref<20480xf32, #tpu.memory_space<hbm>>
    tpu.wait_dma2 semaphore(%arg20 : memref<!tpu.dma_semaphore, #tpu.memory_space<semaphore_mem>>) src(%arg14 : memref<20480xf32, #tpu.memory_space<vmem>>) dst(%dma_wait3A_92 : memref<20480xf32, #tpu.memory_space<hbm>>)
    return
  }
}

</mosaic_0001>

<sc_bundles>
// kernel: kernel.3.cloned.1.call-start
scs
__scs_entry_jumppad:
0x0: {  	(pc) =	sbr.rel $0x88, $3  }
0x1: {  	(tag) =	ssettag $0x0;
	lr =	simm.s32 $0x1  }
0x2: {  	[smem:$0x3F9F] =	sst lr;
	_ =	strace $0xD0000000  }
0x3: {  	_ = 	snop  }
0x4: {  	_ = 	snop  }
0x5: {  	_ = 	snop  }
0x6: {  	_ = 	snop  }
0x7: {  	_ = 	snop  }
__scs_overlays_trampoline_lowered:
0x8: {  	[smem:$0x3FAE] =	sst s0  }
0x9: {  	[smem:$0x3FAF] =	sst s1  }
0xa: {  	[smem:$0x3FB0] =	sst s2  }
0xb: {  	[smem:$0x3FB1] =	sst s3  }
0xc: {  	[smem:$0x3FB2] =	sst s4  }
0xd: {  	[smem:$0x3FB3] =	sst s5  }
0xe: {  	[smem:$0x3FB4] =	sst s6  }
0xf: {  	[smem:$0x3FB5] =	sst s7  }
0x10: {  	[smem:$0x3FB6] =	sst s8  }
0x11: {  	[smem:$0x3FB7] =	sst s9;
	s0 =	simm.s32 @!p0 $0x0  }
0x12: {  	s1 =	sld [smem:$0x3F9D];
	s0 =	simm.s32 @p0 $0x1  }
0x13: {  	[smem:$0x3FB8] =	sst s0;
	s0 =	simm.s32 @!p1 $0x0  }
0x14: {  	s2 =	sld [smem:$0x3F9C];
	s0 =	simm.s32 @p1 $0x1  }
0x15: {  	[smem:$0x3FB9] =	sst s0;
	s0 =	simm.s32 @!p2 $0x0  }
0x16: {  	s3 =	sld [smem:$0x3FDB];
	s0 =	simm.s32 @p2 $0x1  }
0x17: {  	s4 =	simm.s32 $0x1BF5;
	[smem:$0x3FBB] =	sst s0  }
0x18: {  	s0 =	sld [smem:$0x3F9E];
	_ =	swait.ge [sflag:s4], $0x0  }
0x19: {  	s7 =	sld [smem:$0x3F9F]  }
0x1a: {  	s8 =	sadd.s32 $0xFFFFE003, lr  }
0x1b: {  	s9 =	sadd.s32 $0xFFFFFEF7, lr;
	s5 =	simm.s32 $0xFFFFFFFF;
	p2 =	slt.u32 s8, $0xFFFFF086  }
0x1c: {  	p1 =	slt.u32 s9, $0xF7A;
	s5 =	simm.s32 @!p2 $0x0  }
0x1d: {  	s5 =	simm.s32 @p1 $0x1;
	p0 =	seq.s32 s7, s2  }
0x1e: {  	s7 =	smul.u32 @!p0 $0xF7A, s2;
	p2 =	seq.s32 @!p0 s5, $0x0  }
0x1f: {  	s9 =	smul.u32 $0xF7A, s1;
	s8 =	simm.s32 @!p0 $0x1BF5;
	p2 =	por !p2, p0  }
0x20: {  	[sflag:s8] =	ssyncset.s32 @!p0 $0xFFFFF086;
	s6 =	sadd.s32 @!p0 s3, s7;
	s7 =	simm.s32 @!p0 $0x108  }
0x21: {  	s3 =	sadd.s32 s3, s9;
	s6 =	sadd.s32 @!p0 $0x88, s6;
	s7 =	simm.s32 @p2 $0x1082  }
0x22: {  	[simem:s7], [sflag:s8] =	dma.local @!p0 [hbm:s6], $0xF7A  }
0x23: {  	s9 =	sor.u32 $0xD0000000, s2;
	s6 =	simm.s32 $0x108;
	_ =	swait.ge @!p0 [sflag:s8], $0x0  }
0x24: {  	s3 =	sadd.s32 $0x88, s3;
	s6 =	simm.s32 @!p1 $0x1082;
	[sflag:s4] =	ssyncset.s32 $0xFFFFF086  }
0x25: {  	[simem:s6], [sflag:s4] =	dma.local [hbm:s3], $0xF7A  }
0x26: {  	[smem:$0x3F9F] =	sst s1;
	(tag) =	ssettag s2;
	_ =	strace s9  }
0x27: {  	s1 =	sld [smem:$0x3FAF]  }
0x28: {  	s2 =	sld [smem:$0x3FB0]  }
0x29: {  	s4 =	sld [smem:$0x3FB2]  }
0x2a: {  	p0 =	seq.s32 s5, $0x0;
	s5 =	sld [smem:$0x3FB3]  }
0x2b: {  	s6 =	sld [smem:$0x3FB4]  }
0x2c: {  	s7 =	sld [smem:$0x3FB5]  }
0x2d: {  	s3 =	simm.s32 $0x108;
	s8 =	sld [smem:$0x3FB6]  }
0x2e: {  	s3 =	simm.s32 @!p0 $0x1082;
	s9 =	sld [smem:$0x3FB7]  }
0x2f: {  	lr =	sadd.s32 s0, s3;
	s0 =	sld [smem:$0x3FAE]  }
0x30: {  	s3 =	sld [smem:$0x3FB1]  }
0x31: {  	[smem:$0x3FBA] =	sst s10  }
0x32: {  	s10 =	sld [smem:$0x3FB8];
	_ =	sdelay $0x3  }
0x33: {  	p0 =	seq.s32 s10, $0x1;
	s10 =	sld [smem:$0x3FBA];
	_ =	sdelay $0x3  }
0x34: {  	[smem:$0x3FBA] =	sst s10  }
0x35: {  	s10 =	sld [smem:$0x3FB9];
	_ =	sdelay $0x3  }
0x36: {  	p1 =	seq.s32 s10, $0x1;
	s10 =	sld [smem:$0x3FBA];
	_ =	sdelay $0x3  }
0x37: {  	[smem:$0x3FBA] =	sst s10  }
0x38: {  	s10 =	sld [smem:$0x3FBB]  }
0x39: {  	_ = 	snop;
	(pc) =	sbr.ind lr, $3  }
0x3a: {  	_ = 	snop  }
0x3b: {  	_ = 	snop  }
0x3c: {  	p2 =	seq.s32 s10, $0x1;
	s10 =	sld [smem:$0x3FBA]  }
0x3d: {  	_ =	shalt  }
0x3e: {  	_ =	shalt  }
0x3f: {  	_ =	shalt  }
0x40: {  	_ =	shalt  }
0x41: {  	_ =	shalt  }
0x42: {  	_ =	shalt  }
0x43: {  	_ =	shalt  }
0x44: {  	_ =	shalt  }
0x45: {  	_ =	shalt  }
0x46: {  	_ =	shalt  }
0x47: {  	_ =	shalt  }
0x48: {  	_ =	shalt  }
0x49: {  	_ =	shalt  }
0x4a: {  	_ =	shalt  }
0x4b: {  	_ =	shalt  }
0x4c: {  	_ =	shalt  }
0x4d: {  	_ =	shalt  }
0x4e: {  	_ =	shalt  }
0x4f: {  	_ =	shalt  }
0x50: {  	_ =	shalt  }
0x51: {  	_ =	shalt  }
0x52: {  	_ =	shalt  }
0x53: {  	_ =	shalt  }
0x54: {  	_ =	shalt  }
0x55: {  	_ =	shalt  }
0x56: {  	_ =	shalt  }
0x57: {  	_ =	shalt  }
0x58: {  	_ =	shalt  }
0x59: {  	_ =	shalt  }
0x5a: {  	_ =	shalt  }
0x5b: {  	_ =	shalt  }
0x5c: {  	_ =	shalt  }
0x5d: {  	_ =	shalt  }
0x5e: {  	_ =	shalt  }
0x5f: {  	_ =	shalt  }
0x60: {  	_ =	shalt  }
0x61: {  	_ =	shalt  }
0x62: {  	_ =	shalt  }
0x63: {  	_ =	shalt  }
0x64: {  	_ =	shalt  }
0x65: {  	_ =	shalt  }
0x66: {  	_ =	shalt  }
0x67: {  	_ =	shalt  }
0x68: {  	_ =	shalt  }
0x69: {  	_ =	shalt  }
0x6a: {  	_ =	shalt  }
0x6b: {  	_ =	shalt  }
0x6c: {  	_ =	shalt  }
0x6d: {  	_ =	shalt  }
0x6e: {  	_ =	shalt  }
0x6f: {  	_ =	shalt  }
0x70: {  	_ =	shalt  }
0x71: {  	_ =	shalt  }
0x72: {  	_ =	shalt  }
0x73: {  	_ =	shalt  }
0x74: {  	_ =	shalt  }
0x75: {  	_ =	shalt  }
0x76: {  	_ =	shalt  }
0x77: {  	_ =	shalt  }
0x78: {  	_ =	shalt  }
0x79: {  	_ =	shalt  }
0x7a: {  	_ =	shalt  }
0x7b: {  	_ =	shalt  }
0x7c: {  	_ =	shalt  }
0x7d: {  	_ =	shalt  }
0x7e: {  	_ =	shalt  }
0x7f: {  	_ =	shalt  }
0x80: {  	_ =	shalt  }
0x81: {  	_ =	shalt  }
0x82: {  	_ =	shalt  }
0x83: {  	_ =	shalt  }
0x84: {  	_ =	shalt  }
0x85: {  	_ =	shalt  }
0x86: {  	_ =	shalt  }
0x87: {  	_ =	shalt  }
.Lfunc_end0:
.L_simem_size_0:
called_computation_lowered:
.L_overlay_start_0:
0x88: {  	s2 =	sld [smem:$0x3FD9]  }
0x89: {  	s3 =	sld [smem:$0x3FFE];
	_ =	sdelay $0x1  }
0x8a: {  	s1 =	srdreg.scid  }
0x8b: {  	s0 =	sand.u32 $0x1, s1  }
0x8c: {  	s17 =	sshll.u32 s0, $0xA;
	s2 =	sadd.s32 s3, s2  }
0x8d: {  	s2 =	sadd.s32 s2, s17  }
0x8e: {  	[smem:$0x3FC6] =	sst s2  }
0x8f: {  	_ = 	snop  }
0x90: {  	s2 =	sld [smem:$0x3FC9]  }
0x91: {  	s18 =	sld [smem:$0x3FD0];
	(tm) =	ssettm $0x1  }
0x92: {  	s4 =	sld [smem:$0x3FFB];
	_ =	sdelay $0x3  }
0x93: {  	_ =	strace s4  }
0x94: {  	s4 =	sld [smem:$0x3FFC];
	_ =	sdelay $0x3  }
0x95: {  	_ =	strace s4  }
0x96: {  	s4 =	sld [smem:$0x3FFD];
	_ =	sdelay $0x3  }
0x97: {  	_ =	strace s4  }
0x98: {  	_ =	strace $0x8FFFFFFF  }
0x99: {  	s19 =	sld [smem:$0x3FDB];
	_ =	sdelay $0x1  }
0x9a: {  	s5 =	simm.s32 $_scs_section_size  }
0x9b: {  	s6 =	simm.s32 $_size__tile_overlayer_lowered;
	s7 =	simm.s32 $_tile_overlayer_lowered  }
0x9c: {  	s22 =	simm.s32 $0x1BFF;
	s21 =	sshll.u32 s7, $0x1;
	s4 =	sadd.s32 s5, s19  }
0x9d: {  	s8 =	simm.s32 $0x0;
	s20 =	sshll.u32 s6, $0x1;
	s6 =	sadd.s32 s21, s4  }
0x9e: {  	[timem:s8], [sflag:s22] =	dma.local [hbm:s6], s20  }
0x9f: {  	_ =	swait.ge [sflag:s22], s20  }
0xa0: {  	s5 =	ssub.s32 $0x0, s20;
	[sflag:s22] =	ssyncset.done $0x0  }
0xa1: {  	[sflag:s22] =	ssyncadd.s32 s5;
	_ =	sdelay $0x1  }
0xa2: {  	s23 =	simm.s32 $0x1B8B  }
0xa3: {  	_ =	swait.ge [sflag:s23], $0x1  }
0xa4: {  	[sflag:s23] =	ssyncset.done $0x0  }
0xa5: {  	s25 =	simm.s32 $0x1B8E;
	s24 =	sld [smem:$0x3FFE];
	[sflag:s23] =	ssyncadd.s32 $0xFFFFFFFF  }
0xa6: {  	s26 =	simm.s32 $execute0_lowered;
	[smem:$0x3FD2] =	sst s25  }
0xa7: {  	s6 =	sshll.u32 s26, $0x1;
	_ =	strace $0x80000046;
	[dreg:$0x1] =	wrdreg $0xFFFFFFFF  }
0xa8: {  	s28 =	simm.s32 $_size_execute0_lowered;
	s4 =	sadd.s32 s4, s6;
	[dreg:$0x0] =	wrdreg $0x0  }
0xa9: {  	s6 =	sshll.u32 s28, $0x1;
	[dreg:$0x2] =	wrdreg s4  }
0xaa: {  	[dreg:$0x3] =	wrdreg s6  }
0xab: {  	[dreg:$0x4] =	wrdreg $0xC0  }
0xac: {  	_ =	task [dreg:s8], $0x5FFFF  }
0xad: {  	[dreg:$0x1] =	wrdreg $0xFFFFFFFF  }
0xae: {  	[dreg:$0x0] =	wrdreg $0x60  }
0xaf: {  	[dreg:$0x2] =	wrdreg s2  }
0xb0: {  	[dreg:$0x3] =	wrdreg s24  }
0xb1: {  	[dreg:$0x4] =	wrdreg s18  }
0xb2: {  	[dreg:$0x5] =	wrdreg $0x9  }
0xb3: {  	_ =	task.clear_ibuf [dreg:s8], $0x6FFFF;
	_ =	strace $0x90000046  }
0xb4: {  	s29 =	simm.s32 $0x9;
	_ =	strace $0x80000048  }
0xb5: {  	_ =	swait.ge [sflag:s29], $0x1  }
0xb6: {  	[sflag:s29] =	ssyncadd.s32 $0xFFFFFFFF  }
0xb7: {  	_ =	strace $0x90000048  }
0xb8: {  	_ =	sfence  }
0xb9: {  	s30 =	sld [smem:$0x0];
	_ =	sdelay $0x2  }
0xba: {  	s31 =	sshll.u32 s1, $0xD;
	s1 =	sshrl.u32 s1, $0x2  }
0xbb: {  	s3 =	sand.u32 $0x4000, s31;
	s1 =	sadd.s32 s1, s30  }
0xbc: {  	s0 =	sor.u32 s3, s0;
	s1 =	sshll.u32 s1, $0x11  }
0xbd: {  	s0 =	sor.u32 s1, s0  }
0xbe: {  	s0 =	sadd.s32 $0x8F2B, s0  }
0xbf: {  	[sflag:s0] =	ssyncadd.remote.s32 $0x1  }
0xc0: {  	_ =	sfence.sel $0xFFFF  }
0xc1: {  	[dreg:$0x0] =	wrdreg $0xFFFFFFFF;
	(pc) =	sbr.abs _section_cstart, $3  }
0xc2: {  	[dreg:$0x1] =	wrdreg $0xFFFFFFFF  }
0xc3: {  	_ =	task.clear_ibuf [dreg:s8], $0x2FFFF;
	_ =	strace $0x9FFFFFFF  }
0xc4: {  	(tm) =	ssettm $0x7FFFFFFF  }
0xc5: {  	_ =	shalt  }
tec
execute0_lowered:
.L_overlay_start_1:
0x0: {  	(tag) =	ssettag $0x1  }
0x1: {  	s0 =	rddreg [dreg:$0x0]  }
0x2: {  	s1 =	rddreg [dreg:$0x1];
	s2 =	srdreg.scid  }
0x3: {  	s4 =	stileid.u32;
	s3 =	simm.s32 $0x0;
	s28 =	simm.s32 $0x14100  }
0x4: {  	s29 =	simm.s32 $0x2;
	s30 =	simm.s32 $0xF100;
	s31 =	simm.s32 $0x19100  }
0x5: {  	s2 =	sand.u32 $0x1, s2;
	s4 =	sshll.u32 s4, $0x1;
	[smem:$0x7FF] =	sst s3  }
0x6: {  	s5 =	sadd.s32 $0xA00, s1;
	s21 =	sadd.s32 $0xC00, s1;
	s4 =	sor.u32 s2, s4  }
0x7: {  	s1 =	sadd.s32 $0x64C00, s1;
	s2 =	ssub.s32 $0x2, s2;
	s4 =	smul.u32 $0x19000, s4  }
0x8: {  	_ =	strace $0x80000047;
	[dreg:$0x4] =	wrdreg s5;
	s6 =	sshrl.u32 s2, $0x1  }
0x9: {  	s5 =	simm.s32 $0x0;
	s2 =	ssub.s32 s2, s6;
	s4 =	sshrl.u32 s4, $0x3  }
0xa: {  	s20 =	smax.u32 s2, $0x1;
	s2 =	simm.s32 $0x4;
	s22 =	sadd.s32 s0, s4  }
0xb: {  	s23 =	sadd.s32 $0xA00, s4;
	s24 =	sadd.s32 s21, s4;
	s25 =	sadd.s32 $0x1400, s4  }
0xc: {  	s8 =	sadd.s32 s1, s4;
	s26 =	sadd.s32 $0x1E00, s4;
	[dreg:$0x5] =	wrdreg s22  }
0xd: {  	s4 =	sadd.s32 $0x2800, s4;
	s7 =	sadd.s32 s0, s23;
	[dreg:$0x7] =	wrdreg s24  }
0xe: {  	[dreg:$0x8] =	wrdreg s8;
	s9 =	sadd.s32 s0, s25;
	s10 =	sadd.s32 s21, s23  }
0xf: {  	s11 =	sadd.s32 s1, s23;
	s12 =	sadd.s32 s0, s26;
	s13 =	sadd.s32 s21, s25  }
0x10: {  	s14 =	sadd.s32 s1, s25;
	s15 =	sadd.s32 s0, s4;
	s16 =	sadd.s32 s21, s26  }
0x11: {  	s17 =	sadd.s32 s1, s26;
	s18 =	sadd.s32 s21, s4;
	s19 =	sadd.s32 s1, s4  }
0x12: {  	s21 =	simm.s32 $0x7;
	s22 =	simm.s32 $0x80;
	s23 =	simm.s32 $0x100  }
0x13: {  	s24 =	simm.s32 $0x1;
	s26 =	simm.s32 $0xA100;
	s0 =	simm.s32 $0x3  }
0x14: {  	s1 =	simm.s32 $0x5;
	s4 =	simm.s32 $0x6;
	[dreg:$0x6] =	wrdreg s7  }
.LBB2_1:
0x15: {  	s6 =	rddreg [dreg:$0x4]  }
0x16: {  	[tilespmem:s3], [sflag:$0x7] =	stream.linear.gather [hbm4b:s6+s3], $0x80, $0x38;
	[tilespmem:$0x1E100] =	vst v63  }
0x17: {  	_ =	swait.ge [sflag:s21], $0x80  }
0x18: {  	[sflag:s21] =	ssyncset.done $0x0  }
0x19: {  	[sflag:s21] =	ssyncadd.s32 $0xFFFFFF80  }
0x1a: {  	s25 =	rddreg [dreg:$0x2]  }
0x1b: {  	[tilespmem:s22], [sflag:$0x7] =	stream.linear.gather [hbm4b:s25+s3], $0x80, $0x38;
	[tilespmem:$0x1E100] =	vst v63  }
0x1c: {  	_ =	swait.ge [sflag:s21], $0x80  }
0x1d: {  	[sflag:s21] =	ssyncset.done $0x0  }
0x1e: {  	s7 =	rddreg [dreg:$0x5];
	[sflag:s21] =	ssyncadd.s32 $0xFFFFFF80  }
0x1f: {  	[tilespmem:s23], [sflag:$0x1] =	stream.linear.gather [hbm4b:s7+s3], $0x5000, $0x38;
	[tilespmem:$0x1E100] =	vst v63  }
0x20: {  	_ =	swait.ge [sflag:s24], $0x5000  }
0x21: {  	s25 =	simm.s32 $0x180;
	[sflag:s24] =	ssyncset.done $0x0  }
0x22: {  	s7 =	simm.s32 $0x5100;
	s8 =	rddreg [dreg:$0x6];
	[sflag:s24] =	ssyncadd.s32 $0xFFFFB000  }
0x23: {  	[tilespmem:s7], [sflag:$0x2] =	stream.linear.gather [hbm4b:s8+s3], $0x5000, $0x38;
	[tilespmem:$0x1E100] =	vst v63  }
0x24: {  	v0 =	vld [tilespmem:s25+$0x70]  }
0x25: {  	v1 =	vld [tilespmem:s25+$0xFFFFFF90]  }
0x26: {  	v2 =	vld [tilespmem:s25+$0xFFFFFFA0]  }
0x27: {  	v3 =	vld [tilespmem:s25+$0xFFFFFFB0]  }
0x28: {  	v4 =	vld [tilespmem:s25+$0xFFFFFFC0]  }
0x29: {  	v5 =	vld [tilespmem:s25+$0xFFFFFFD0]  }
0x2a: {  	v6 =	vld [tilespmem:s25+$0xFFFFFFE0]  }
0x2b: {  	v7 =	vld [tilespmem:s25+$0xFFFFFFF0]  }
0x2c: {  	v9 =	vld [tilespmem:s25+$0x0]  }
0x2d: {  	v10 =	vld [tilespmem:s25+$0x10]  }
0x2e: {  	v11 =	vld [tilespmem:s25+$0x20]  }
0x2f: {  	v12 =	vld [tilespmem:s25+$0x30]  }
0x30: {  	v13 =	vld [tilespmem:s25+$0x40]  }
0x31: {  	v14 =	vld [tilespmem:s25+$0x50]  }
0x32: {  	v56 =	vld [tilespmem:s25+$0x60]  }
0x33: {  	v15 =	vld [tilespmem:s25+$0xFFFFFF80]  }
0x34: {  	v8 =	vld.idx.msk [tilespmem:v0+s3+$0x0], $0xffff  }
0x35: {  	v16 =	vld.idx.msk [tilespmem:v1+s3+$0x0], $0xffff  }
0x36: {  	v17 =	vld.idx.msk [tilespmem:v2+s3+$0x0], $0xffff  }
0x37: {  	v18 =	vld.idx.msk [tilespmem:v3+s3+$0x0], $0xffff  }
0x38: {  	s6 =	simm.s32 $0xA180;
	v19 =	vld.idx.msk [tilespmem:v4+s3+$0x0], $0xffff  }
0x39: {  	v20 =	vld.idx.msk [tilespmem:v5+s3+$0x0], $0xffff;
	[tilespmem:s6+$0x70] =	vst v8  }
0x3a: {  	v0 =	vld.idx.msk [tilespmem:v0+s22+$0x0], $0xffff  }
0x3b: {  	v57 =	vld.idx.msk [tilespmem:v7+s3+$0x0], $0xffff;
	[tilespmem:s6+$0xFFFFFF90] =	vst v16  }
0x3c: {  	v21 =	vld.idx.msk [tilespmem:v15+s3+$0x0], $0xffff;
	[tilespmem:s6+$0xFFFFFFA0] =	vst v17  }
0x3d: {  	v58 =	vld.idx.msk [tilespmem:v9+s3+$0x0], $0xffff;
	[tilespmem:s6+$0xFFFFFFB0] =	vst v18  }
0x3e: {  	s7 =	simm.s32 $0x14180;
	v59 =	vld.idx.msk [tilespmem:v10+s3+$0x0], $0xffff;
	[tilespmem:s6+$0xFFFFFFC0] =	vst v19  }
0x3f: {  	[tilespmem:s7+$0x70] =	vst v0;
	v0 =	vld.idx.msk [tilespmem:v6+s3+$0x0], $0xffff  }
0x40: {  	v60 =	vld.idx.msk [tilespmem:v11+s3+$0x0], $0xffff;
	[tilespmem:s6+$0xFFFFFFD0] =	vst v20  }
0x41: {  	v61 =	vld.idx.msk [tilespmem:v13+s3+$0x0], $0xffff;
	[tilespmem:s6+$0xFFFFFFF0] =	vst v57  }
0x42: {  	v62 =	vld.idx.msk [tilespmem:v14+s3+$0x0], $0xffff;
	[tilespmem:s6+$0xFFFFFF80] =	vst v21  }
0x43: {  	[tilespmem:s6+$0x0] =	vst v58;
	v1 =	vld.idx.msk [tilespmem:v1+s22+$0x0], $0xffff  }
0x44: {  	[tilespmem:s6+$0xFFFFFFE0] =	vst v0;
	v0 =	vld.idx.msk [tilespmem:v12+s3+$0x0], $0xffff  }
0x45: {  	v63 =	vld.idx.msk [tilespmem:v56+s3+$0x0], $0xffff;
	[tilespmem:s6+$0x10] =	vst v59  }
0x46: {  	[tilespmem:s6+$0x20] =	vst v60;
	v15 =	vld.idx.msk [tilespmem:v15+s22+$0x0], $0xffff  }
0x47: {  	[tilespmem:s6+$0x40] =	vst v61;
	v2 =	vld.idx.msk [tilespmem:v2+s22+$0x0], $0xffff  }
0x48: {  	[tilespmem:s7+$0xFFFFFF90] =	vst v1;
	v1 =	vld.idx.msk [tilespmem:v11+s22+$0x0], $0xffff  }
0x49: {  	[tilespmem:s6+$0x30] =	vst v0;
	v0 =	vld.idx.msk [tilespmem:v3+s22+$0x0], $0xffff  }
0x4a: {  	[tilespmem:s6+$0x50] =	vst v62;
	v3 =	vld.idx.msk [tilespmem:v4+s22+$0x0], $0xffff  }
0x4b: {  	[tilespmem:s6+$0x60] =	vst v63;
	v4 =	vld.idx.msk [tilespmem:v5+s22+$0x0], $0xffff  }
0x4c: {  	[tilespmem:s7+$0xFFFFFF80] =	vst v15;
	v5 =	vld.idx.msk [tilespmem:v6+s22+$0x0], $0xffff  }
0x4d: {  	[tilespmem:s7+$0xFFFFFFA0] =	vst v2;
	v6 =	vld.idx.msk [tilespmem:v7+s22+$0x0], $0xffff  }
0x4e: {  	v7 =	vld.idx.msk [tilespmem:v9+s22+$0x0], $0xffff;
	[tilespmem:s7+$0xFFFFFFB0] =	vst v0  }
0x4f: {  	v0 =	vld.idx.msk [tilespmem:v10+s22+$0x0], $0xffff;
	[tilespmem:s7+$0xFFFFFFC0] =	vst v3  }
0x50: {  	v2 =	vld.idx.msk [tilespmem:v12+s22+$0x0], $0xffff;
	[tilespmem:s7+$0xFFFFFFD0] =	vst v4  }
0x51: {  	[tilespmem:s7+$0xFFFFFFE0] =	vst v5;
	v3 =	vld.idx.msk [tilespmem:v13+s22+$0x0], $0xffff  }
0x52: {  	[tilespmem:s7+$0xFFFFFFF0] =	vst v6;
	v4 =	vld.idx.msk [tilespmem:v14+s22+$0x0], $0xffff  }
0x53: {  	s8 =	simm.s32 $0x0;
	s25 =	simm.s32 $0x280;
	[tilespmem:s7+$0x0] =	vst v7;
	v5 =	vld.idx.msk [tilespmem:v56+s22+$0x0], $0xffff  }
.LBB2_2:
0x54: {  	v6 =	vld [tilespmem:s25+$0x70];
	s8 =	sadd.s32 $0x10, s8;
	[tilespmem:s7+$0x10] =	vst v0  }
0x55: {  	v0 =	vld [tilespmem:s25+$0xFFFFFF90];
	p0 =	slt.u32 s8, $0x4F0;
	[tilespmem:s7+$0x20] =	vst v1  }
0x56: {  	v1 =	vld [tilespmem:s25+$0xFFFFFFA0];
	[tilespmem:s7+$0x30] =	vst v2  }
0x57: {  	v2 =	vld [tilespmem:s25+$0xFFFFFFB0];
	[tilespmem:s7+$0x40] =	vst v3  }
0x58: {  	v3 =	vld [tilespmem:s25+$0xFFFFFFC0];
	[tilespmem:s7+$0x50] =	vst v4  }
0x59: {  	v4 =	vld [tilespmem:s25+$0xFFFFFFD0];
	[tilespmem:s7+$0x60] =	vst v5  }
0x5a: {  	v5 =	vld [tilespmem:s25+$0xFFFFFFE0]  }
0x5b: {  	v7 =	vld [tilespmem:s25+$0xFFFFFFF0]  }
0x5c: {  	v8 =	vld.idx.msk [tilespmem:v6+s3+$0x0], $0xffff  }
0x5d: {  	v9 =	vld [tilespmem:s25+$0x0]  }
0x5e: {  	v10 =	vld [tilespmem:s25+$0x10]  }
0x5f: {  	v11 =	vld [tilespmem:s25+$0x20]  }
0x60: {  	v12 =	vld [tilespmem:s25+$0x30]  }
0x61: {  	s6 =	sadd.s32 $0x100, s6;
	v13 =	vld [tilespmem:s25+$0x40]  }
0x62: {  	v14 =	vld [tilespmem:s25+$0x50];
	[tilespmem:s6+$0x70] =	vst v8  }
0x63: {  	v6 =	vld.idx.msk [tilespmem:v6+s22+$0x0], $0xffff  }
0x64: {  	v8 =	vld [tilespmem:s25+$0x60]  }
0x65: {  	v15 =	vld [tilespmem:s25+$0xFFFFFF80]  }
0x66: {  	v16 =	vld.idx.msk [tilespmem:v0+s3+$0x0], $0xffff  }
0x67: {  	v17 =	vld.idx.msk [tilespmem:v1+s3+$0x0], $0xffff  }
0x68: {  	s7 =	sadd.s32 $0x100, s7;
	v18 =	vld.idx.msk [tilespmem:v2+s3+$0x0], $0xffff  }
0x69: {  	v19 =	vld.idx.msk [tilespmem:v3+s3+$0x0], $0xffff;
	[tilespmem:s7+$0x70] =	vst v6  }
0x6a: {  	v6 =	vld.idx.msk [tilespmem:v4+s3+$0x0], $0xffff  }
0x6b: {  	v20 =	vld.idx.msk [tilespmem:v5+s3+$0x0], $0xffff  }
0x6c: {  	[tilespmem:s6+$0xFFFFFF90] =	vst v16;
	v16 =	vld.idx.msk [tilespmem:v7+s3+$0x0], $0xffff  }
0x6d: {  	v21 =	vld.idx.msk [tilespmem:v15+s3+$0x0], $0xffff;
	[tilespmem:s6+$0xFFFFFFA0] =	vst v17  }
0x6e: {  	[tilespmem:s6+$0xFFFFFFB0] =	vst v18;
	v17 =	vld.idx.msk [tilespmem:v9+s3+$0x0], $0xffff  }
0x6f: {  	[tilespmem:s6+$0xFFFFFFC0] =	vst v19;
	v18 =	vld.idx.msk [tilespmem:v10+s3+$0x0], $0xffff  }
0x70: {  	[tilespmem:s6+$0xFFFFFFD0] =	vst v6;
	v6 =	vld.idx.msk [tilespmem:v11+s3+$0x0], $0xffff  }
0x71: {  	[tilespmem:s6+$0xFFFFFFE0] =	vst v20;
	v19 =	vld.idx.msk [tilespmem:v12+s3+$0x0], $0xffff  }
0x72: {  	[tilespmem:s6+$0xFFFFFFF0] =	vst v16;
	v16 =	vld.idx.msk [tilespmem:v13+s3+$0x0], $0xffff  }
0x73: {  	[tilespmem:s6+$0xFFFFFF80] =	vst v21;
	v20 =	vld.idx.msk [tilespmem:v14+s3+$0x0], $0xffff  }
0x74: {  	[tilespmem:s6+$0x0] =	vst v17;
	v17 =	vld.idx.msk [tilespmem:v8+s3+$0x0], $0xffff  }
0x75: {  	v15 =	vld.idx.msk [tilespmem:v15+s22+$0x0], $0xffff;
	[tilespmem:s6+$0x10] =	vst v18  }
0x76: {  	v0 =	vld.idx.msk [tilespmem:v0+s22+$0x0], $0xffff;
	[tilespmem:s6+$0x20] =	vst v6  }
0x77: {  	v1 =	vld.idx.msk [tilespmem:v1+s22+$0x0], $0xffff;
	[tilespmem:s6+$0x30] =	vst v19  }
0x78: {  	v2 =	vld.idx.msk [tilespmem:v2+s22+$0x0], $0xffff;
	[tilespmem:s6+$0x40] =	vst v16  }
0x79: {  	v3 =	vld.idx.msk [tilespmem:v3+s22+$0x0], $0xffff;
	[tilespmem:s6+$0x50] =	vst v20  }
0x7a: {  	v4 =	vld.idx.msk [tilespmem:v4+s22+$0x0], $0xffff;
	[tilespmem:s6+$0x60] =	vst v17  }
0x7b: {  	[tilespmem:s7+$0xFFFFFF80] =	vst v15;
	v5 =	vld.idx.msk [tilespmem:v5+s22+$0x0], $0xffff  }
0x7c: {  	[tilespmem:s7+$0xFFFFFF90] =	vst v0;
	v6 =	vld.idx.msk [tilespmem:v7+s22+$0x0], $0xffff  }
0x7d: {  	[tilespmem:s7+$0xFFFFFFA0] =	vst v1;
	v7 =	vld.idx.msk [tilespmem:v9+s22+$0x0], $0xffff  }
0x7e: {  	[tilespmem:s7+$0xFFFFFFB0] =	vst v2;
	v0 =	vld.idx.msk [tilespmem:v10+s22+$0x0], $0xffff  }
.Ltmp0:
0x7f: {  	[tilespmem:s7+$0xFFFFFFC0] =	vst v3;
	v1 =	vld.idx.msk [tilespmem:v11+s22+$0x0], $0xffff;
	(pc) =	sbr.rel @p0 .LBB2_2-.Ltmp0, $4  }
0x80: {  	[tilespmem:s7+$0xFFFFFFD0] =	vst v4;
	v2 =	vld.idx.msk [tilespmem:v12+s22+$0x0], $0xffff  }
0x81: {  	[tilespmem:s7+$0xFFFFFFE0] =	vst v5;
	v3 =	vld.idx.msk [tilespmem:v13+s22+$0x0], $0xffff  }
0x82: {  	[tilespmem:s7+$0xFFFFFFF0] =	vst v6;
	v4 =	vld.idx.msk [tilespmem:v14+s22+$0x0], $0xffff  }
0x83: {  	s25 =	sadd.s32 $0x100, s25;
	[tilespmem:s7+$0x0] =	vst v7;
	v5 =	vld.idx.msk [tilespmem:v8+s22+$0x0], $0xffff  }
0x84: {  	[tilespmem:s7+$0x10] =	vst v0  }
0x85: {  	[tilespmem:s7+$0x20] =	vst v1  }
0x86: {  	[tilespmem:s7+$0x30] =	vst v2  }
0x87: {  	[tilespmem:s7+$0x40] =	vst v3  }
0x88: {  	[tilespmem:s7+$0x50] =	vst v4  }
0x89: {  	[tilespmem:s7+$0x60] =	vst v5  }
0x8a: {  	s6 =	rddreg [dreg:$0x7]  }
0x8b: {  	[hbm4b:s6+s3] =	stream.linear.scatter [tilespmem:s26], [sflag:$0x3], $0x5000, $0x38;
	[tilespmem:$0x1E100] =	vst v63  }
0x8c: {  	s8 =	rddreg [dreg:$0x8]  }
0x8d: {  	[hbm4b:s8+s3] =	stream.linear.scatter [tilespmem:s28], [sflag:$0x5], $0x5000, $0x38;
	[tilespmem:$0x1E100] =	vst v63  }
0x8e: {  	_ =	swait.ge [sflag:s29], $0x5000  }
0x8f: {  	[sflag:s29] =	ssyncset.done $0x0  }
0x90: {  	s25 =	simm.s32 $0x5180;
	[sflag:s29] =	ssyncadd.s32 $0xFFFFB000  }
0x91: {  	[tilespmem:s23], [sflag:$0x1] =	stream.linear.gather [hbm4b:s9+s3], $0x5000, $0x38;
	[tilespmem:$0x1E100] =	vst v63  }
0x92: {  	v0 =	vld [tilespmem:s25+$0x70]  }
0x93: {  	v1 =	vld [tilespmem:s25+$0xFFFFFF90]  }
0x94: {  	v2 =	vld [tilespmem:s25+$0xFFFFFFA0]  }
0x95: {  	v3 =	vld [tilespmem:s25+$0xFFFFFFB0]  }
0x96: {  	v4 =	vld [tilespmem:s25+$0xFFFFFFC0]  }
0x97: {  	v5 =	vld [tilespmem:s25+$0xFFFFFFD0]  }
0x98: {  	v6 =	vld [tilespmem:s25+$0xFFFFFFE0]  }
0x99: {  	v7 =	vld [tilespmem:s25+$0xFFFFFFF0]  }
0x9a: {  	v9 =	vld [tilespmem:s25+$0x0]  }
0x9b: {  	v10 =	vld [tilespmem:s25+$0x10]  }
0x9c: {  	v11 =	vld [tilespmem:s25+$0x20]  }
0x9d: {  	v12 =	vld [tilespmem:s25+$0x30]  }
0x9e: {  	v13 =	vld [tilespmem:s25+$0x40]  }
0x9f: {  	v14 =	vld [tilespmem:s25+$0x50]  }
0xa0: {  	v56 =	vld [tilespmem:s25+$0x60]  }
0xa1: {  	v15 =	vld [tilespmem:s25+$0xFFFFFF80]  }
0xa2: {  	v8 =	vld.idx.msk [tilespmem:v0+s3+$0x0], $0xffff  }
0xa3: {  	v16 =	vld.idx.msk [tilespmem:v1+s3+$0x0], $0xffff  }
0xa4: {  	v17 =	vld.idx.msk [tilespmem:v2+s3+$0x0], $0xffff  }
0xa5: {  	v18 =	vld.idx.msk [tilespmem:v3+s3+$0x0], $0xffff  }
0xa6: {  	s6 =	simm.s32 $0xF180;
	v19 =	vld.idx.msk [tilespmem:v4+s3+$0x0], $0xffff  }
0xa7: {  	v20 =	vld.idx.msk [tilespmem:v5+s3+$0x0], $0xffff;
	[tilespmem:s6+$0x70] =	vst v8  }
0xa8: {  	v0 =	vld.idx.msk [tilespmem:v0+s22+$0x0], $0xffff  }
0xa9: {  	v57 =	vld.idx.msk [tilespmem:v7+s3+$0x0], $0xffff;
	[tilespmem:s6+$0xFFFFFF90] =	vst v16  }
0xaa: {  	v21 =	vld.idx.msk [tilespmem:v15+s3+$0x0], $0xffff;
	[tilespmem:s6+$0xFFFFFFA0] =	vst v17  }
0xab: {  	v58 =	vld.idx.msk [tilespmem:v9+s3+$0x0], $0xffff;
	[tilespmem:s6+$0xFFFFFFB0] =	vst v18  }
0xac: {  	s7 =	simm.s32 $0x19180;
	v59 =	vld.idx.msk [tilespmem:v10+s3+$0x0], $0xffff;
	[tilespmem:s6+$0xFFFFFFC0] =	vst v19  }
0xad: {  	[tilespmem:s7+$0x70] =	vst v0;
	v0 =	vld.idx.msk [tilespmem:v6+s3+$0x0], $0xffff  }
0xae: {  	v60 =	vld.idx.msk [tilespmem:v11+s3+$0x0], $0xffff;
	[tilespmem:s6+$0xFFFFFFD0] =	vst v20  }
0xaf: {  	v61 =	vld.idx.msk [tilespmem:v13+s3+$0x0], $0xffff;
	[tilespmem:s6+$0xFFFFFFF0] =	vst v57  }
0xb0: {  	v62 =	vld.idx.msk [tilespmem:v14+s3+$0x0], $0xffff;
	[tilespmem:s6+$0xFFFFFF80] =	vst v21  }
0xb1: {  	[tilespmem:s6+$0x0] =	vst v58;
	v1 =	vld.idx.msk [tilespmem:v1+s22+$0x0], $0xffff  }
0xb2: {  	[tilespmem:s6+$0xFFFFFFE0] =	vst v0;
	v0 =	vld.idx.msk [tilespmem:v12+s3+$0x0], $0xffff  }
0xb3: {  	v63 =	vld.idx.msk [tilespmem:v56+s3+$0x0], $0xffff;
	[tilespmem:s6+$0x10] =	vst v59  }
0xb4: {  	[tilespmem:s6+$0x20] =	vst v60;
	v15 =	vld.idx.msk [tilespmem:v15+s22+$0x0], $0xffff  }
0xb5: {  	[tilespmem:s6+$0x40] =	vst v61;
	v2 =	vld.idx.msk [tilespmem:v2+s22+$0x0], $0xffff  }
0xb6: {  	[tilespmem:s7+$0xFFFFFF90] =	vst v1;
	v1 =	vld.idx.msk [tilespmem:v11+s22+$0x0], $0xffff  }
0xb7: {  	[tilespmem:s6+$0x30] =	vst v0;
	v0 =	vld.idx.msk [tilespmem:v3+s22+$0x0], $0xffff  }
0xb8: {  	[tilespmem:s6+$0x50] =	vst v62;
	v3 =	vld.idx.msk [tilespmem:v4+s22+$0x0], $0xffff  }
0xb9: {  	[tilespmem:s6+$0x60] =	vst v63;
	v4 =	vld.idx.msk [tilespmem:v5+s22+$0x0], $0xffff  }
0xba: {  	[tilespmem:s7+$0xFFFFFF80] =	vst v15;
	v5 =	vld.idx.msk [tilespmem:v6+s22+$0x0], $0xffff  }
0xbb: {  	[tilespmem:s7+$0xFFFFFFA0] =	vst v2;
	v6 =	vld.idx.msk [tilespmem:v7+s22+$0x0], $0xffff  }
0xbc: {  	v7 =	vld.idx.msk [tilespmem:v9+s22+$0x0], $0xffff;
	[tilespmem:s7+$0xFFFFFFB0] =	vst v0  }
0xbd: {  	v0 =	vld.idx.msk [tilespmem:v10+s22+$0x0], $0xffff;
	[tilespmem:s7+$0xFFFFFFC0] =	vst v3  }
0xbe: {  	v2 =	vld.idx.msk [tilespmem:v12+s22+$0x0], $0xffff;
	[tilespmem:s7+$0xFFFFFFD0] =	vst v4  }
0xbf: {  	[tilespmem:s7+$0xFFFFFFE0] =	vst v5;
	v3 =	vld.idx.msk [tilespmem:v13+s22+$0x0], $0xffff  }
0xc0: {  	[tilespmem:s7+$0xFFFFFFF0] =	vst v6;
	v4 =	vld.idx.msk [tilespmem:v14+s22+$0x0], $0xffff  }
0xc1: {  	s8 =	simm.s32 $0x0;
	s25 =	simm.s32 $0x5280;
	[tilespmem:s7+$0x0] =	vst v7;
	v5 =	vld.idx.msk [tilespmem:v56+s22+$0x0], $0xffff  }
.LBB2_4:
0xc2: {  	v6 =	vld [tilespmem:s25+$0x70];
	s8 =	sadd.s32 $0x10, s8;
	[tilespmem:s7+$0x10] =	vst v0  }
0xc3: {  	v0 =	vld [tilespmem:s25+$0xFFFFFF90];
	p0 =	slt.u32 s8, $0x4F0;
	[tilespmem:s7+$0x20] =	vst v1  }
0xc4: {  	v1 =	vld [tilespmem:s25+$0xFFFFFFA0];
	[tilespmem:s7+$0x30] =	vst v2  }
0xc5: {  	v2 =	vld [tilespmem:s25+$0xFFFFFFB0];
	[tilespmem:s7+$0x40] =	vst v3  }
0xc6: {  	v3 =	vld [tilespmem:s25+$0xFFFFFFC0];
	[tilespmem:s7+$0x50] =	vst v4  }
0xc7: {  	v4 =	vld [tilespmem:s25+$0xFFFFFFD0];
	[tilespmem:s7+$0x60] =	vst v5  }
0xc8: {  	v5 =	vld [tilespmem:s25+$0xFFFFFFE0]  }
0xc9: {  	v7 =	vld [tilespmem:s25+$0xFFFFFFF0]  }
0xca: {  	v8 =	vld.idx.msk [tilespmem:v6+s3+$0x0], $0xffff  }
0xcb: {  	v9 =	vld [tilespmem:s25+$0x0]  }
0xcc: {  	v10 =	vld [tilespmem:s25+$0x10]  }
0xcd: {  	v11 =	vld [tilespmem:s25+$0x20]  }
0xce: {  	v12 =	vld [tilespmem:s25+$0x30]  }
0xcf: {  	s6 =	sadd.s32 $0x100, s6;
	v13 =	vld [tilespmem:s25+$0x40]  }
0xd0: {  	v14 =	vld [tilespmem:s25+$0x50];
	[tilespmem:s6+$0x70] =	vst v8  }
0xd1: {  	v6 =	vld.idx.msk [tilespmem:v6+s22+$0x0], $0xffff  }
0xd2: {  	v8 =	vld [tilespmem:s25+$0x60]  }
0xd3: {  	v15 =	vld [tilespmem:s25+$0xFFFFFF80]  }
0xd4: {  	v16 =	vld.idx.msk [tilespmem:v0+s3+$0x0], $0xffff  }
0xd5: {  	v17 =	vld.idx.msk [tilespmem:v1+s3+$0x0], $0xffff  }
0xd6: {  	s7 =	sadd.s32 $0x100, s7;
	v18 =	vld.idx.msk [tilespmem:v2+s3+$0x0], $0xffff  }
0xd7: {  	v19 =	vld.idx.msk [tilespmem:v3+s3+$0x0], $0xffff;
	[tilespmem:s7+$0x70] =	vst v6  }
0xd8: {  	v6 =	vld.idx.msk [tilespmem:v4+s3+$0x0], $0xffff  }
0xd9: {  	v20 =	vld.idx.msk [tilespmem:v5+s3+$0x0], $0xffff  }
0xda: {  	[tilespmem:s6+$0xFFFFFF90] =	vst v16;
	v16 =	vld.idx.msk [tilespmem:v7+s3+$0x0], $0xffff  }
0xdb: {  	v21 =	vld.idx.msk [tilespmem:v15+s3+$0x0], $0xffff;
	[tilespmem:s6+$0xFFFFFFA0] =	vst v17  }
0xdc: {  	[tilespmem:s6+$0xFFFFFFB0] =	vst v18;
	v17 =	vld.idx.msk [tilespmem:v9+s3+$0x0], $0xffff  }
0xdd: {  	[tilespmem:s6+$0xFFFFFFC0] =	vst v19;
	v18 =	vld.idx.msk [tilespmem:v10+s3+$0x0], $0xffff  }
0xde: {  	[tilespmem:s6+$0xFFFFFFD0] =	vst v6;
	v6 =	vld.idx.msk [tilespmem:v11+s3+$0x0], $0xffff  }
0xdf: {  	[tilespmem:s6+$0xFFFFFFE0] =	vst v20;
	v19 =	vld.idx.msk [tilespmem:v12+s3+$0x0], $0xffff  }
0xe0: {  	[tilespmem:s6+$0xFFFFFFF0] =	vst v16;
	v16 =	vld.idx.msk [tilespmem:v13+s3+$0x0], $0xffff  }
0xe1: {  	[tilespmem:s6+$0xFFFFFF80] =	vst v21;
	v20 =	vld.idx.msk [tilespmem:v14+s3+$0x0], $0xffff  }
0xe2: {  	[tilespmem:s6+$0x0] =	vst v17;
	v17 =	vld.idx.msk [tilespmem:v8+s3+$0x0], $0xffff  }
0xe3: {  	v15 =	vld.idx.msk [tilespmem:v15+s22+$0x0], $0xffff;
	[tilespmem:s6+$0x10] =	vst v18  }
0xe4: {  	v0 =	vld.idx.msk [tilespmem:v0+s22+$0x0], $0xffff;
	[tilespmem:s6+$0x20] =	vst v6  }
0xe5: {  	v1 =	vld.idx.msk [tilespmem:v1+s22+$0x0], $0xffff;
	[tilespmem:s6+$0x30] =	vst v19  }
0xe6: {  	v2 =	vld.idx.msk [tilespmem:v2+s22+$0x0], $0xffff;
	[tilespmem:s6+$0x40] =	vst v16  }
0xe7: {  	v3 =	vld.idx.msk [tilespmem:v3+s22+$0x0], $0xffff;
	[tilespmem:s6+$0x50] =	vst v20  }
0xe8: {  	v4 =	vld.idx.msk [tilespmem:v4+s22+$0x0], $0xffff;
	[tilespmem:s6+$0x60] =	vst v17  }
0xe9: {  	[tilespmem:s7+$0xFFFFFF80] =	vst v15;
	v5 =	vld.idx.msk [tilespmem:v5+s22+$0x0], $0xffff  }
0xea: {  	[tilespmem:s7+$0xFFFFFF90] =	vst v0;
	v6 =	vld.idx.msk [tilespmem:v7+s22+$0x0], $0xffff  }
0xeb: {  	[tilespmem:s7+$0xFFFFFFA0] =	vst v1;
	v7 =	vld.idx.msk [tilespmem:v9+s22+$0x0], $0xffff  }
0xec: {  	[tilespmem:s7+$0xFFFFFFB0] =	vst v2;
	v0 =	vld.idx.msk [tilespmem:v10+s22+$0x0], $0xffff  }
.Ltmp1:
0xed: {  	[tilespmem:s7+$0xFFFFFFC0] =	vst v3;
	v1 =	vld.idx.msk [tilespmem:v11+s22+$0x0], $0xffff;
	(pc) =	sbr.rel @p0 .LBB2_4-.Ltmp1, $4  }
0xee: {  	[tilespmem:s7+$0xFFFFFFD0] =	vst v4;
	v2 =	vld.idx.msk [tilespmem:v12+s22+$0x0], $0xffff  }
0xef: {  	[tilespmem:s7+$0xFFFFFFE0] =	vst v5;
	v3 =	vld.idx.msk [tilespmem:v13+s22+$0x0], $0xffff  }
0xf0: {  	[tilespmem:s7+$0xFFFFFFF0] =	vst v6;
	v4 =	vld.idx.msk [tilespmem:v14+s22+$0x0], $0xffff  }
0xf1: {  	s25 =	sadd.s32 $0x100, s25;
	[tilespmem:s7+$0x0] =	vst v7;
	v5 =	vld.idx.msk [tilespmem:v8+s22+$0x0], $0xffff  }
0xf2: {  	[tilespmem:s7+$0x10] =	vst v0  }
0xf3: {  	[tilespmem:s7+$0x20] =	vst v1  }
0xf4: {  	[tilespmem:s7+$0x30] =	vst v2  }
0xf5: {  	[tilespmem:s7+$0x40] =	vst v3  }
0xf6: {  	[tilespmem:s7+$0x50] =	vst v4  }
0xf7: {  	[tilespmem:s7+$0x60] =	vst v5  }
0xf8: {  	[hbm4b:s10+s3] =	stream.linear.scatter [tilespmem:s30], [sflag:$0x4], $0x5000, $0x38;
	[tilespmem:$0x1E100] =	vst v63  }
0xf9: {  	_ = 	snop  }
0xfa: {  	[hbm4b:s11+s3] =	stream.linear.scatter [tilespmem:s31], [sflag:$0x6], $0x5000, $0x38;
	[tilespmem:$0x1E100] =	vst v63  }
0xfb: {  	_ =	swait.ge [sflag:s24], $0x5000  }
0xfc: {  	[sflag:s24] =	ssyncset.done $0x0  }
0xfd: {  	s6 =	simm.s32 $0x5100;
	[sflag:s24] =	ssyncadd.s32 $0xFFFFB000  }
0xfe: {  	[tilespmem:s6], [sflag:$0x2] =	stream.linear.gather [hbm4b:s12+s3], $0x5000, $0x38;
	[tilespmem:$0x1E100] =	vst v63  }
0xff: {  	_ =	swait.ge [sflag:s0], $0x5000  }
0x100: {  	[sflag:s0] =	ssyncset.done $0x0  }
0x101: {  	[sflag:s0] =	ssyncadd.s32 $0xFFFFB000  }
0x102: {  	_ =	swait.ge [sflag:s1], $0x5000  }
0x103: {  	[sflag:s1] =	ssyncset.done $0x0  }
0x104: {  	s25 =	simm.s32 $0x180;
	[sflag:s1] =	ssyncadd.s32 $0xFFFFB000  }
0x105: {  	v0 =	vld [tilespmem:s25+$0x70]  }
0x106: {  	v1 =	vld [tilespmem:s25+$0xFFFFFF90]  }
0x107: {  	v2 =	vld [tilespmem:s25+$0xFFFFFFA0]  }
0x108: {  	v3 =	vld [tilespmem:s25+$0xFFFFFFB0]  }
0x109: {  	v4 =	vld [tilespmem:s25+$0xFFFFFFC0]  }
0x10a: {  	v5 =	vld [tilespmem:s25+$0xFFFFFFD0]  }
0x10b: {  	v6 =	vld [tilespmem:s25+$0xFFFFFFE0]  }
0x10c: {  	v7 =	vld [tilespmem:s25+$0xFFFFFFF0]  }
0x10d: {  	v9 =	vld [tilespmem:s25+$0x0]  }
0x10e: {  	v10 =	vld [tilespmem:s25+$0x10]  }
0x10f: {  	v11 =	vld [tilespmem:s25+$0x20]  }
0x110: {  	v12 =	vld [tilespmem:s25+$0x30]  }
0x111: {  	v13 =	vld [tilespmem:s25+$0x40]  }
0x112: {  	v14 =	vld [tilespmem:s25+$0x50]  }
0x113: {  	v56 =	vld [tilespmem:s25+$0x60]  }
0x114: {  	v15 =	vld [tilespmem:s25+$0xFFFFFF80]  }
0x115: {  	v8 =	vld.idx.msk [tilespmem:v0+s3+$0x0], $0xffff  }
0x116: {  	v16 =	vld.idx.msk [tilespmem:v1+s3+$0x0], $0xffff  }
0x117: {  	v17 =	vld.idx.msk [tilespmem:v2+s3+$0x0], $0xffff  }
0x118: {  	v18 =	vld.idx.msk [tilespmem:v3+s3+$0x0], $0xffff  }
0x119: {  	s6 =	simm.s32 $0xA180;
	v19 =	vld.idx.msk [tilespmem:v4+s3+$0x0], $0xffff  }
0x11a: {  	v20 =	vld.idx.msk [tilespmem:v5+s3+$0x0], $0xffff;
	[tilespmem:s6+$0x70] =	vst v8  }
0x11b: {  	v0 =	vld.idx.msk [tilespmem:v0+s22+$0x0], $0xffff  }
0x11c: {  	v57 =	vld.idx.msk [tilespmem:v7+s3+$0x0], $0xffff;
	[tilespmem:s6+$0xFFFFFF90] =	vst v16  }
0x11d: {  	v21 =	vld.idx.msk [tilespmem:v15+s3+$0x0], $0xffff;
	[tilespmem:s6+$0xFFFFFFA0] =	vst v17  }
0x11e: {  	v58 =	vld.idx.msk [tilespmem:v9+s3+$0x0], $0xffff;
	[tilespmem:s6+$0xFFFFFFB0] =	vst v18  }
0x11f: {  	s7 =	simm.s32 $0x14180;
	v59 =	vld.idx.msk [tilespmem:v10+s3+$0x0], $0xffff;
	[tilespmem:s6+$0xFFFFFFC0] =	vst v19  }
0x120: {  	[tilespmem:s7+$0x70] =	vst v0;
	v0 =	vld.idx.msk [tilespmem:v6+s3+$0x0], $0xffff  }
0x121: {  	v60 =	vld.idx.msk [tilespmem:v11+s3+$0x0], $0xffff;
	[tilespmem:s6+$0xFFFFFFD0] =	vst v20  }
0x122: {  	v61 =	vld.idx.msk [tilespmem:v13+s3+$0x0], $0xffff;
	[tilespmem:s6+$0xFFFFFFF0] =	vst v57  }
0x123: {  	v62 =	vld.idx.msk [tilespmem:v14+s3+$0x0], $0xffff;
	[tilespmem:s6+$0xFFFFFF80] =	vst v21  }
0x124: {  	[tilespmem:s6+$0x0] =	vst v58;
	v1 =	vld.idx.msk [tilespmem:v1+s22+$0x0], $0xffff  }
0x125: {  	[tilespmem:s6+$0xFFFFFFE0] =	vst v0;
	v0 =	vld.idx.msk [tilespmem:v12+s3+$0x0], $0xffff  }
0x126: {  	v63 =	vld.idx.msk [tilespmem:v56+s3+$0x0], $0xffff;
	[tilespmem:s6+$0x10] =	vst v59  }
0x127: {  	[tilespmem:s6+$0x20] =	vst v60;
	v15 =	vld.idx.msk [tilespmem:v15+s22+$0x0], $0xffff  }
0x128: {  	[tilespmem:s6+$0x40] =	vst v61;
	v2 =	vld.idx.msk [tilespmem:v2+s22+$0x0], $0xffff  }
0x129: {  	[tilespmem:s7+$0xFFFFFF90] =	vst v1;
	v1 =	vld.idx.msk [tilespmem:v11+s22+$0x0], $0xffff  }
0x12a: {  	[tilespmem:s6+$0x30] =	vst v0;
	v0 =	vld.idx.msk [tilespmem:v3+s22+$0x0], $0xffff  }
0x12b: {  	[tilespmem:s6+$0x50] =	vst v62;
	v3 =	vld.idx.msk [tilespmem:v4+s22+$0x0], $0xffff  }
0x12c: {  	[tilespmem:s6+$0x60] =	vst v63;
	v4 =	vld.idx.msk [tilespmem:v5+s22+$0x0], $0xffff  }
0x12d: {  	[tilespmem:s7+$0xFFFFFF80] =	vst v15;
	v5 =	vld.idx.msk [tilespmem:v6+s22+$0x0], $0xffff  }
0x12e: {  	[tilespmem:s7+$0xFFFFFFA0] =	vst v2;
	v6 =	vld.idx.msk [tilespmem:v7+s22+$0x0], $0xffff  }
0x12f: {  	v7 =	vld.idx.msk [tilespmem:v9+s22+$0x0], $0xffff;
	[tilespmem:s7+$0xFFFFFFB0] =	vst v0  }
0x130: {  	v0 =	vld.idx.msk [tilespmem:v10+s22+$0x0], $0xffff;
	[tilespmem:s7+$0xFFFFFFC0] =	vst v3  }
0x131: {  	v2 =	vld.idx.msk [tilespmem:v12+s22+$0x0], $0xffff;
	[tilespmem:s7+$0xFFFFFFD0] =	vst v4  }
0x132: {  	[tilespmem:s7+$0xFFFFFFE0] =	vst v5;
	v3 =	vld.idx.msk [tilespmem:v13+s22+$0x0], $0xffff  }
0x133: {  	[tilespmem:s7+$0xFFFFFFF0] =	vst v6;
	v4 =	vld.idx.msk [tilespmem:v14+s22+$0x0], $0xffff  }
0x134: {  	s8 =	simm.s32 $0x0;
	s25 =	simm.s32 $0x280;
	[tilespmem:s7+$0x0] =	vst v7;
	v5 =	vld.idx.msk [tilespmem:v56+s22+$0x0], $0xffff  }
.LBB2_6:
0x135: {  	v6 =	vld [tilespmem:s25+$0x70];
	s8 =	sadd.s32 $0x10, s8;
	[tilespmem:s7+$0x10] =	vst v0  }
0x136: {  	v0 =	vld [tilespmem:s25+$0xFFFFFF90];
	p0 =	slt.u32 s8, $0x4F0;
	[tilespmem:s7+$0x20] =	vst v1  }
0x137: {  	v1 =	vld [tilespmem:s25+$0xFFFFFFA0];
	[tilespmem:s7+$0x30] =	vst v2  }
0x138: {  	v2 =	vld [tilespmem:s25+$0xFFFFFFB0];
	[tilespmem:s7+$0x40] =	vst v3  }
0x139: {  	v3 =	vld [tilespmem:s25+$0xFFFFFFC0];
	[tilespmem:s7+$0x50] =	vst v4  }
0x13a: {  	v4 =	vld [tilespmem:s25+$0xFFFFFFD0];
	[tilespmem:s7+$0x60] =	vst v5  }
0x13b: {  	v5 =	vld [tilespmem:s25+$0xFFFFFFE0]  }
0x13c: {  	v7 =	vld [tilespmem:s25+$0xFFFFFFF0]  }
0x13d: {  	v8 =	vld.idx.msk [tilespmem:v6+s3+$0x0], $0xffff  }
0x13e: {  	v9 =	vld [tilespmem:s25+$0x0]  }
0x13f: {  	v10 =	vld [tilespmem:s25+$0x10]  }
0x140: {  	v11 =	vld [tilespmem:s25+$0x20]  }
0x141: {  	v12 =	vld [tilespmem:s25+$0x30]  }
0x142: {  	s6 =	sadd.s32 $0x100, s6;
	v13 =	vld [tilespmem:s25+$0x40]  }
0x143: {  	v14 =	vld [tilespmem:s25+$0x50];
	[tilespmem:s6+$0x70] =	vst v8  }
0x144: {  	v6 =	vld.idx.msk [tilespmem:v6+s22+$0x0], $0xffff  }
0x145: {  	v8 =	vld [tilespmem:s25+$0x60]  }
0x146: {  	v15 =	vld [tilespmem:s25+$0xFFFFFF80]  }
0x147: {  	v16 =	vld.idx.msk [tilespmem:v0+s3+$0x0], $0xffff  }
0x148: {  	v17 =	vld.idx.msk [tilespmem:v1+s3+$0x0], $0xffff  }
0x149: {  	s7 =	sadd.s32 $0x100, s7;
	v18 =	vld.idx.msk [tilespmem:v2+s3+$0x0], $0xffff  }
0x14a: {  	v19 =	vld.idx.msk [tilespmem:v3+s3+$0x0], $0xffff;
	[tilespmem:s7+$0x70] =	vst v6  }
0x14b: {  	v6 =	vld.idx.msk [tilespmem:v4+s3+$0x0], $0xffff  }
0x14c: {  	v20 =	vld.idx.msk [tilespmem:v5+s3+$0x0], $0xffff  }
0x14d: {  	[tilespmem:s6+$0xFFFFFF90] =	vst v16;
	v16 =	vld.idx.msk [tilespmem:v7+s3+$0x0], $0xffff  }
0x14e: {  	v21 =	vld.idx.msk [tilespmem:v15+s3+$0x0], $0xffff;
	[tilespmem:s6+$0xFFFFFFA0] =	vst v17  }
0x14f: {  	[tilespmem:s6+$0xFFFFFFB0] =	vst v18;
	v17 =	vld.idx.msk [tilespmem:v9+s3+$0x0], $0xffff  }
0x150: {  	[tilespmem:s6+$0xFFFFFFC0] =	vst v19;
	v18 =	vld.idx.msk [tilespmem:v10+s3+$0x0], $0xffff  }
0x151: {  	[tilespmem:s6+$0xFFFFFFD0] =	vst v6;
	v6 =	vld.idx.msk [tilespmem:v11+s3+$0x0], $0xffff  }
0x152: {  	[tilespmem:s6+$0xFFFFFFE0] =	vst v20;
	v19 =	vld.idx.msk [tilespmem:v12+s3+$0x0], $0xffff  }
0x153: {  	[tilespmem:s6+$0xFFFFFFF0] =	vst v16;
	v16 =	vld.idx.msk [tilespmem:v13+s3+$0x0], $0xffff  }
0x154: {  	[tilespmem:s6+$0xFFFFFF80] =	vst v21;
	v20 =	vld.idx.msk [tilespmem:v14+s3+$0x0], $0xffff  }
0x155: {  	[tilespmem:s6+$0x0] =	vst v17;
	v17 =	vld.idx.msk [tilespmem:v8+s3+$0x0], $0xffff  }
0x156: {  	v15 =	vld.idx.msk [tilespmem:v15+s22+$0x0], $0xffff;
	[tilespmem:s6+$0x10] =	vst v18  }
0x157: {  	v0 =	vld.idx.msk [tilespmem:v0+s22+$0x0], $0xffff;
	[tilespmem:s6+$0x20] =	vst v6  }
0x158: {  	v1 =	vld.idx.msk [tilespmem:v1+s22+$0x0], $0xffff;
	[tilespmem:s6+$0x30] =	vst v19  }
0x159: {  	v2 =	vld.idx.msk [tilespmem:v2+s22+$0x0], $0xffff;
	[tilespmem:s6+$0x40] =	vst v16  }
0x15a: {  	v3 =	vld.idx.msk [tilespmem:v3+s22+$0x0], $0xffff;
	[tilespmem:s6+$0x50] =	vst v20  }
0x15b: {  	v4 =	vld.idx.msk [tilespmem:v4+s22+$0x0], $0xffff;
	[tilespmem:s6+$0x60] =	vst v17  }
0x15c: {  	[tilespmem:s7+$0xFFFFFF80] =	vst v15;
	v5 =	vld.idx.msk [tilespmem:v5+s22+$0x0], $0xffff  }
0x15d: {  	[tilespmem:s7+$0xFFFFFF90] =	vst v0;
	v6 =	vld.idx.msk [tilespmem:v7+s22+$0x0], $0xffff  }
0x15e: {  	[tilespmem:s7+$0xFFFFFFA0] =	vst v1;
	v7 =	vld.idx.msk [tilespmem:v9+s22+$0x0], $0xffff  }
0x15f: {  	[tilespmem:s7+$0xFFFFFFB0] =	vst v2;
	v0 =	vld.idx.msk [tilespmem:v10+s22+$0x0], $0xffff  }
.Ltmp2:
0x160: {  	[tilespmem:s7+$0xFFFFFFC0] =	vst v3;
	v1 =	vld.idx.msk [tilespmem:v11+s22+$0x0], $0xffff;
	(pc) =	sbr.rel @p0 .LBB2_6-.Ltmp2, $4  }
0x161: {  	[tilespmem:s7+$0xFFFFFFD0] =	vst v4;
	v2 =	vld.idx.msk [tilespmem:v12+s22+$0x0], $0xffff  }
0x162: {  	[tilespmem:s7+$0xFFFFFFE0] =	vst v5;
	v3 =	vld.idx.msk [tilespmem:v13+s22+$0x0], $0xffff  }
0x163: {  	[tilespmem:s7+$0xFFFFFFF0] =	vst v6;
	v4 =	vld.idx.msk [tilespmem:v14+s22+$0x0], $0xffff  }
0x164: {  	s25 =	sadd.s32 $0x100, s25;
	[tilespmem:s7+$0x0] =	vst v7;
	v5 =	vld.idx.msk [tilespmem:v8+s22+$0x0], $0xffff  }
0x165: {  	[tilespmem:s7+$0x10] =	vst v0  }
0x166: {  	[tilespmem:s7+$0x20] =	vst v1  }
0x167: {  	[tilespmem:s7+$0x30] =	vst v2  }
0x168: {  	[tilespmem:s7+$0x40] =	vst v3  }
0x169: {  	[tilespmem:s7+$0x50] =	vst v4  }
0x16a: {  	[tilespmem:s7+$0x60] =	vst v5  }
0x16b: {  	[hbm4b:s13+s3] =	stream.linear.scatter [tilespmem:s26], [sflag:$0x3], $0x5000, $0x38;
	[tilespmem:$0x1E100] =	vst v63  }
0x16c: {  	_ = 	snop  }
0x16d: {  	[hbm4b:s14+s3] =	stream.linear.scatter [tilespmem:s28], [sflag:$0x5], $0x5000, $0x38;
	[tilespmem:$0x1E100] =	vst v63  }
0x16e: {  	_ =	swait.ge [sflag:s29], $0x5000  }
0x16f: {  	[sflag:s29] =	ssyncset.done $0x0  }
0x170: {  	[sflag:s29] =	ssyncadd.s32 $0xFFFFB000  }
0x171: {  	[tilespmem:s23], [sflag:$0x1] =	stream.linear.gather [hbm4b:s15+s3], $0x5000, $0x38;
	[tilespmem:$0x1E100] =	vst v63  }
0x172: {  	_ =	swait.ge [sflag:s2], $0x5000  }
0x173: {  	[sflag:s2] =	ssyncset.done $0x0  }
0x174: {  	[sflag:s2] =	ssyncadd.s32 $0xFFFFB000  }
0x175: {  	_ =	swait.ge [sflag:s4], $0x5000  }
0x176: {  	[sflag:s4] =	ssyncset.done $0x0  }
0x177: {  	s25 =	simm.s32 $0x5180;
	[sflag:s4] =	ssyncadd.s32 $0xFFFFB000  }
0x178: {  	v0 =	vld [tilespmem:s25+$0x70]  }
0x179: {  	v1 =	vld [tilespmem:s25+$0xFFFFFF90]  }
0x17a: {  	v2 =	vld [tilespmem:s25+$0xFFFFFFA0]  }
0x17b: {  	v3 =	vld [tilespmem:s25+$0xFFFFFFB0]  }
0x17c: {  	v4 =	vld [tilespmem:s25+$0xFFFFFFC0]  }
0x17d: {  	v5 =	vld [tilespmem:s25+$0xFFFFFFD0]  }
0x17e: {  	v6 =	vld [tilespmem:s25+$0xFFFFFFE0]  }
0x17f: {  	v7 =	vld [tilespmem:s25+$0xFFFFFFF0]  }
0x180: {  	v9 =	vld [tilespmem:s25+$0x0]  }
0x181: {  	v10 =	vld [tilespmem:s25+$0x10]  }
0x182: {  	v11 =	vld [tilespmem:s25+$0x20]  }
0x183: {  	v12 =	vld [tilespmem:s25+$0x30]  }
0x184: {  	v13 =	vld [tilespmem:s25+$0x40]  }
0x185: {  	v14 =	vld [tilespmem:s25+$0x50]  }
0x186: {  	v56 =	vld [tilespmem:s25+$0x60]  }
0x187: {  	v15 =	vld [tilespmem:s25+$0xFFFFFF80]  }
0x188: {  	v8 =	vld.idx.msk [tilespmem:v0+s3+$0x0], $0xffff  }
0x189: {  	v16 =	vld.idx.msk [tilespmem:v1+s3+$0x0], $0xffff  }
0x18a: {  	v17 =	vld.idx.msk [tilespmem:v2+s3+$0x0], $0xffff  }
0x18b: {  	v18 =	vld.idx.msk [tilespmem:v3+s3+$0x0], $0xffff  }
0x18c: {  	s6 =	simm.s32 $0xF180;
	v19 =	vld.idx.msk [tilespmem:v4+s3+$0x0], $0xffff  }
0x18d: {  	v20 =	vld.idx.msk [tilespmem:v5+s3+$0x0], $0xffff;
	[tilespmem:s6+$0x70] =	vst v8  }
0x18e: {  	v0 =	vld.idx.msk [tilespmem:v0+s22+$0x0], $0xffff  }
0x18f: {  	v57 =	vld.idx.msk [tilespmem:v7+s3+$0x0], $0xffff;
	[tilespmem:s6+$0xFFFFFF90] =	vst v16  }
0x190: {  	v21 =	vld.idx.msk [tilespmem:v15+s3+$0x0], $0xffff;
	[tilespmem:s6+$0xFFFFFFA0] =	vst v17  }
0x191: {  	v58 =	vld.idx.msk [tilespmem:v9+s3+$0x0], $0xffff;
	[tilespmem:s6+$0xFFFFFFB0] =	vst v18  }
0x192: {  	s7 =	simm.s32 $0x19180;
	v59 =	vld.idx.msk [tilespmem:v10+s3+$0x0], $0xffff;
	[tilespmem:s6+$0xFFFFFFC0] =	vst v19  }
0x193: {  	[tilespmem:s7+$0x70] =	vst v0;
	v0 =	vld.idx.msk [tilespmem:v6+s3+$0x0], $0xffff  }
0x194: {  	v60 =	vld.idx.msk [tilespmem:v11+s3+$0x0], $0xffff;
	[tilespmem:s6+$0xFFFFFFD0] =	vst v20  }
0x195: {  	v61 =	vld.idx.msk [tilespmem:v13+s3+$0x0], $0xffff;
	[tilespmem:s6+$0xFFFFFFF0] =	vst v57  }
0x196: {  	v62 =	vld.idx.msk [tilespmem:v14+s3+$0x0], $0xffff;
	[tilespmem:s6+$0xFFFFFF80] =	vst v21  }
0x197: {  	[tilespmem:s6+$0x0] =	vst v58;
	v1 =	vld.idx.msk [tilespmem:v1+s22+$0x0], $0xffff  }
0x198: {  	[tilespmem:s6+$0xFFFFFFE0] =	vst v0;
	v0 =	vld.idx.msk [tilespmem:v12+s3+$0x0], $0xffff  }
0x199: {  	v63 =	vld.idx.msk [tilespmem:v56+s3+$0x0], $0xffff;
	[tilespmem:s6+$0x10] =	vst v59  }
0x19a: {  	[tilespmem:s6+$0x20] =	vst v60;
	v15 =	vld.idx.msk [tilespmem:v15+s22+$0x0], $0xffff  }
0x19b: {  	[tilespmem:s6+$0x40] =	vst v61;
	v2 =	vld.idx.msk [tilespmem:v2+s22+$0x0], $0xffff  }
0x19c: {  	[tilespmem:s7+$0xFFFFFF90] =	vst v1;
	v1 =	vld.idx.msk [tilespmem:v11+s22+$0x0], $0xffff  }
0x19d: {  	[tilespmem:s6+$0x30] =	vst v0;
	v0 =	vld.idx.msk [tilespmem:v3+s22+$0x0], $0xffff  }
0x19e: {  	[tilespmem:s6+$0x50] =	vst v62;
	v3 =	vld.idx.msk [tilespmem:v4+s22+$0x0], $0xffff  }
0x19f: {  	[tilespmem:s6+$0x60] =	vst v63;
	v4 =	vld.idx.msk [tilespmem:v5+s22+$0x0], $0xffff  }
0x1a0: {  	[tilespmem:s7+$0xFFFFFF80] =	vst v15;
	v5 =	vld.idx.msk [tilespmem:v6+s22+$0x0], $0xffff  }
0x1a1: {  	[tilespmem:s7+$0xFFFFFFA0] =	vst v2;
	v6 =	vld.idx.msk [tilespmem:v7+s22+$0x0], $0xffff  }
0x1a2: {  	v7 =	vld.idx.msk [tilespmem:v9+s22+$0x0], $0xffff;
	[tilespmem:s7+$0xFFFFFFB0] =	vst v0  }
0x1a3: {  	v0 =	vld.idx.msk [tilespmem:v10+s22+$0x0], $0xffff;
	[tilespmem:s7+$0xFFFFFFC0] =	vst v3  }
0x1a4: {  	v2 =	vld.idx.msk [tilespmem:v12+s22+$0x0], $0xffff;
	[tilespmem:s7+$0xFFFFFFD0] =	vst v4  }
0x1a5: {  	[tilespmem:s7+$0xFFFFFFE0] =	vst v5;
	v3 =	vld.idx.msk [tilespmem:v13+s22+$0x0], $0xffff  }
0x1a6: {  	[tilespmem:s7+$0xFFFFFFF0] =	vst v6;
	v4 =	vld.idx.msk [tilespmem:v14+s22+$0x0], $0xffff  }
0x1a7: {  	s8 =	simm.s32 $0x0;
	s25 =	simm.s32 $0x5280;
	[tilespmem:s7+$0x0] =	vst v7;
	v5 =	vld.idx.msk [tilespmem:v56+s22+$0x0], $0xffff  }
.LBB2_8:
0x1a8: {  	v6 =	vld [tilespmem:s25+$0x70];
	s8 =	sadd.s32 $0x10, s8;
	[tilespmem:s7+$0x10] =	vst v0  }
0x1a9: {  	v0 =	vld [tilespmem:s25+$0xFFFFFF90];
	p0 =	slt.u32 s8, $0x4F0;
	[tilespmem:s7+$0x20] =	vst v1  }
0x1aa: {  	v1 =	vld [tilespmem:s25+$0xFFFFFFA0];
	[tilespmem:s7+$0x30] =	vst v2  }
0x1ab: {  	v2 =	vld [tilespmem:s25+$0xFFFFFFB0];
	[tilespmem:s7+$0x40] =	vst v3  }
0x1ac: {  	v3 =	vld [tilespmem:s25+$0xFFFFFFC0];
	[tilespmem:s7+$0x50] =	vst v4  }
0x1ad: {  	v4 =	vld [tilespmem:s25+$0xFFFFFFD0];
	[tilespmem:s7+$0x60] =	vst v5  }
0x1ae: {  	v5 =	vld [tilespmem:s25+$0xFFFFFFE0]  }
0x1af: {  	v7 =	vld [tilespmem:s25+$0xFFFFFFF0]  }
0x1b0: {  	v8 =	vld.idx.msk [tilespmem:v6+s3+$0x0], $0xffff  }
0x1b1: {  	v9 =	vld [tilespmem:s25+$0x0]  }
0x1b2: {  	v10 =	vld [tilespmem:s25+$0x10]  }
0x1b3: {  	v11 =	vld [tilespmem:s25+$0x20]  }
0x1b4: {  	v12 =	vld [tilespmem:s25+$0x30]  }
0x1b5: {  	s6 =	sadd.s32 $0x100, s6;
	v13 =	vld [tilespmem:s25+$0x40]  }
0x1b6: {  	v14 =	vld [tilespmem:s25+$0x50];
	[tilespmem:s6+$0x70] =	vst v8  }
0x1b7: {  	v6 =	vld.idx.msk [tilespmem:v6+s22+$0x0], $0xffff  }
0x1b8: {  	v8 =	vld [tilespmem:s25+$0x60]  }
0x1b9: {  	v15 =	vld [tilespmem:s25+$0xFFFFFF80]  }
0x1ba: {  	v16 =	vld.idx.msk [tilespmem:v0+s3+$0x0], $0xffff  }
0x1bb: {  	v17 =	vld.idx.msk [tilespmem:v1+s3+$0x0], $0xffff  }
0x1bc: {  	s7 =	sadd.s32 $0x100, s7;
	v18 =	vld.idx.msk [tilespmem:v2+s3+$0x0], $0xffff  }
0x1bd: {  	v19 =	vld.idx.msk [tilespmem:v3+s3+$0x0], $0xffff;
	[tilespmem:s7+$0x70] =	vst v6  }
0x1be: {  	v6 =	vld.idx.msk [tilespmem:v4+s3+$0x0], $0xffff  }
0x1bf: {  	v20 =	vld.idx.msk [tilespmem:v5+s3+$0x0], $0xffff  }
0x1c0: {  	[tilespmem:s6+$0xFFFFFF90] =	vst v16;
	v16 =	vld.idx.msk [tilespmem:v7+s3+$0x0], $0xffff  }
0x1c1: {  	v21 =	vld.idx.msk [tilespmem:v15+s3+$0x0], $0xffff;
	[tilespmem:s6+$0xFFFFFFA0] =	vst v17  }
0x1c2: {  	[tilespmem:s6+$0xFFFFFFB0] =	vst v18;
	v17 =	vld.idx.msk [tilespmem:v9+s3+$0x0], $0xffff  }
0x1c3: {  	[tilespmem:s6+$0xFFFFFFC0] =	vst v19;
	v18 =	vld.idx.msk [tilespmem:v10+s3+$0x0], $0xffff  }
0x1c4: {  	[tilespmem:s6+$0xFFFFFFD0] =	vst v6;
	v6 =	vld.idx.msk [tilespmem:v11+s3+$0x0], $0xffff  }
0x1c5: {  	[tilespmem:s6+$0xFFFFFFE0] =	vst v20;
	v19 =	vld.idx.msk [tilespmem:v12+s3+$0x0], $0xffff  }
0x1c6: {  	[tilespmem:s6+$0xFFFFFFF0] =	vst v16;
	v16 =	vld.idx.msk [tilespmem:v13+s3+$0x0], $0xffff  }
0x1c7: {  	[tilespmem:s6+$0xFFFFFF80] =	vst v21;
	v20 =	vld.idx.msk [tilespmem:v14+s3+$0x0], $0xffff  }
0x1c8: {  	[tilespmem:s6+$0x0] =	vst v17;
	v17 =	vld.idx.msk [tilespmem:v8+s3+$0x0], $0xffff  }
0x1c9: {  	v15 =	vld.idx.msk [tilespmem:v15+s22+$0x0], $0xffff;
	[tilespmem:s6+$0x10] =	vst v18  }
0x1ca: {  	v0 =	vld.idx.msk [tilespmem:v0+s22+$0x0], $0xffff;
	[tilespmem:s6+$0x20] =	vst v6  }
0x1cb: {  	v1 =	vld.idx.msk [tilespmem:v1+s22+$0x0], $0xffff;
	[tilespmem:s6+$0x30] =	vst v19  }
0x1cc: {  	v2 =	vld.idx.msk [tilespmem:v2+s22+$0x0], $0xffff;
	[tilespmem:s6+$0x40] =	vst v16  }
0x1cd: {  	v3 =	vld.idx.msk [tilespmem:v3+s22+$0x0], $0xffff;
	[tilespmem:s6+$0x50] =	vst v20  }
0x1ce: {  	v4 =	vld.idx.msk [tilespmem:v4+s22+$0x0], $0xffff;
	[tilespmem:s6+$0x60] =	vst v17  }
0x1cf: {  	[tilespmem:s7+$0xFFFFFF80] =	vst v15;
	v5 =	vld.idx.msk [tilespmem:v5+s22+$0x0], $0xffff  }
0x1d0: {  	[tilespmem:s7+$0xFFFFFF90] =	vst v0;
	v6 =	vld.idx.msk [tilespmem:v7+s22+$0x0], $0xffff  }
0x1d1: {  	[tilespmem:s7+$0xFFFFFFA0] =	vst v1;
	v7 =	vld.idx.msk [tilespmem:v9+s22+$0x0], $0xffff  }
0x1d2: {  	[tilespmem:s7+$0xFFFFFFB0] =	vst v2;
	v0 =	vld.idx.msk [tilespmem:v10+s22+$0x0], $0xffff  }
.Ltmp3:
0x1d3: {  	[tilespmem:s7+$0xFFFFFFC0] =	vst v3;
	v1 =	vld.idx.msk [tilespmem:v11+s22+$0x0], $0xffff;
	(pc) =	sbr.rel @p0 .LBB2_8-.Ltmp3, $4  }
0x1d4: {  	[tilespmem:s7+$0xFFFFFFD0] =	vst v4;
	v2 =	vld.idx.msk [tilespmem:v12+s22+$0x0], $0xffff  }
0x1d5: {  	[tilespmem:s7+$0xFFFFFFE0] =	vst v5;
	v3 =	vld.idx.msk [tilespmem:v13+s22+$0x0], $0xffff  }
0x1d6: {  	[tilespmem:s7+$0xFFFFFFF0] =	vst v6;
	v4 =	vld.idx.msk [tilespmem:v14+s22+$0x0], $0xffff  }
0x1d7: {  	s25 =	sadd.s32 $0x100, s25;
	[tilespmem:s7+$0x0] =	vst v7;
	v5 =	vld.idx.msk [tilespmem:v8+s22+$0x0], $0xffff  }
0x1d8: {  	[tilespmem:s7+$0x10] =	vst v0  }
0x1d9: {  	[tilespmem:s7+$0x20] =	vst v1  }
0x1da: {  	[tilespmem:s7+$0x30] =	vst v2  }
0x1db: {  	[tilespmem:s7+$0x40] =	vst v3  }
0x1dc: {  	[tilespmem:s7+$0x50] =	vst v4  }
0x1dd: {  	[tilespmem:s7+$0x60] =	vst v5  }
0x1de: {  	[hbm4b:s16+s3] =	stream.linear.scatter [tilespmem:s30], [sflag:$0x4], $0x5000, $0x38;
	[tilespmem:$0x1E100] =	vst v63  }
0x1df: {  	_ = 	snop  }
0x1e0: {  	[hbm4b:s17+s3] =	stream.linear.scatter [tilespmem:s31], [sflag:$0x6], $0x5000, $0x38;
	[tilespmem:$0x1E100] =	vst v63  }
0x1e1: {  	_ =	swait.ge [sflag:s24], $0x5000  }
0x1e2: {  	[sflag:s24] =	ssyncset.done $0x0  }
0x1e3: {  	[sflag:s24] =	ssyncadd.s32 $0xFFFFB000  }
0x1e4: {  	_ =	swait.ge [sflag:s0], $0x5000  }
0x1e5: {  	[sflag:s0] =	ssyncset.done $0x0  }
0x1e6: {  	[sflag:s0] =	ssyncadd.s32 $0xFFFFB000  }
0x1e7: {  	_ =	swait.ge [sflag:s1], $0x5000  }
0x1e8: {  	[sflag:s1] =	ssyncset.done $0x0  }
0x1e9: {  	s25 =	simm.s32 $0x180;
	[sflag:s1] =	ssyncadd.s32 $0xFFFFB000  }
0x1ea: {  	v0 =	vld [tilespmem:s25+$0x70]  }
0x1eb: {  	v1 =	vld [tilespmem:s25+$0xFFFFFF90]  }
0x1ec: {  	v2 =	vld [tilespmem:s25+$0xFFFFFFA0]  }
0x1ed: {  	v3 =	vld [tilespmem:s25+$0xFFFFFFB0]  }
0x1ee: {  	v4 =	vld [tilespmem:s25+$0xFFFFFFC0]  }
0x1ef: {  	v5 =	vld [tilespmem:s25+$0xFFFFFFD0]  }
0x1f0: {  	v6 =	vld [tilespmem:s25+$0xFFFFFFE0]  }
0x1f1: {  	v7 =	vld [tilespmem:s25+$0xFFFFFFF0]  }
0x1f2: {  	v9 =	vld [tilespmem:s25+$0x0]  }
0x1f3: {  	v10 =	vld [tilespmem:s25+$0x10]  }
0x1f4: {  	v11 =	vld [tilespmem:s25+$0x20]  }
0x1f5: {  	v12 =	vld [tilespmem:s25+$0x30]  }
0x1f6: {  	v13 =	vld [tilespmem:s25+$0x40]  }
0x1f7: {  	v14 =	vld [tilespmem:s25+$0x50]  }
0x1f8: {  	v56 =	vld [tilespmem:s25+$0x60]  }
0x1f9: {  	v15 =	vld [tilespmem:s25+$0xFFFFFF80]  }
0x1fa: {  	v8 =	vld.idx.msk [tilespmem:v0+s3+$0x0], $0xffff  }
0x1fb: {  	v16 =	vld.idx.msk [tilespmem:v1+s3+$0x0], $0xffff  }
0x1fc: {  	v17 =	vld.idx.msk [tilespmem:v2+s3+$0x0], $0xffff  }
0x1fd: {  	v18 =	vld.idx.msk [tilespmem:v3+s3+$0x0], $0xffff  }
0x1fe: {  	s6 =	simm.s32 $0xA180;
	v19 =	vld.idx.msk [tilespmem:v4+s3+$0x0], $0xffff  }
0x1ff: {  	v20 =	vld.idx.msk [tilespmem:v5+s3+$0x0], $0xffff;
	[tilespmem:s6+$0x70] =	vst v8  }
0x200: {  	v0 =	vld.idx.msk [tilespmem:v0+s22+$0x0], $0xffff  }
0x201: {  	v57 =	vld.idx.msk [tilespmem:v7+s3+$0x0], $0xffff;
	[tilespmem:s6+$0xFFFFFF90] =	vst v16  }
0x202: {  	v21 =	vld.idx.msk [tilespmem:v15+s3+$0x0], $0xffff;
	[tilespmem:s6+$0xFFFFFFA0] =	vst v17  }
0x203: {  	v58 =	vld.idx.msk [tilespmem:v9+s3+$0x0], $0xffff;
	[tilespmem:s6+$0xFFFFFFB0] =	vst v18  }
0x204: {  	s7 =	simm.s32 $0x14180;
	v59 =	vld.idx.msk [tilespmem:v10+s3+$0x0], $0xffff;
	[tilespmem:s6+$0xFFFFFFC0] =	vst v19  }
0x205: {  	[tilespmem:s7+$0x70] =	vst v0;
	v0 =	vld.idx.msk [tilespmem:v6+s3+$0x0], $0xffff  }
0x206: {  	v60 =	vld.idx.msk [tilespmem:v11+s3+$0x0], $0xffff;
	[tilespmem:s6+$0xFFFFFFD0] =	vst v20  }
0x207: {  	v61 =	vld.idx.msk [tilespmem:v13+s3+$0x0], $0xffff;
	[tilespmem:s6+$0xFFFFFFF0] =	vst v57  }
0x208: {  	v62 =	vld.idx.msk [tilespmem:v14+s3+$0x0], $0xffff;
	[tilespmem:s6+$0xFFFFFF80] =	vst v21  }
0x209: {  	[tilespmem:s6+$0x0] =	vst v58;
	v1 =	vld.idx.msk [tilespmem:v1+s22+$0x0], $0xffff  }
0x20a: {  	[tilespmem:s6+$0xFFFFFFE0] =	vst v0;
	v0 =	vld.idx.msk [tilespmem:v12+s3+$0x0], $0xffff  }
0x20b: {  	v63 =	vld.idx.msk [tilespmem:v56+s3+$0x0], $0xffff;
	[tilespmem:s6+$0x10] =	vst v59  }
0x20c: {  	[tilespmem:s6+$0x20] =	vst v60;
	v15 =	vld.idx.msk [tilespmem:v15+s22+$0x0], $0xffff  }
0x20d: {  	[tilespmem:s6+$0x40] =	vst v61;
	v2 =	vld.idx.msk [tilespmem:v2+s22+$0x0], $0xffff  }
0x20e: {  	[tilespmem:s7+$0xFFFFFF90] =	vst v1;
	v1 =	vld.idx.msk [tilespmem:v11+s22+$0x0], $0xffff  }
0x20f: {  	[tilespmem:s6+$0x30] =	vst v0;
	v0 =	vld.idx.msk [tilespmem:v3+s22+$0x0], $0xffff  }
0x210: {  	[tilespmem:s6+$0x50] =	vst v62;
	v3 =	vld.idx.msk [tilespmem:v4+s22+$0x0], $0xffff  }
0x211: {  	[tilespmem:s6+$0x60] =	vst v63;
	v4 =	vld.idx.msk [tilespmem:v5+s22+$0x0], $0xffff  }
0x212: {  	[tilespmem:s7+$0xFFFFFF80] =	vst v15;
	v5 =	vld.idx.msk [tilespmem:v6+s22+$0x0], $0xffff  }
0x213: {  	[tilespmem:s7+$0xFFFFFFA0] =	vst v2;
	v6 =	vld.idx.msk [tilespmem:v7+s22+$0x0], $0xffff  }
0x214: {  	v7 =	vld.idx.msk [tilespmem:v9+s22+$0x0], $0xffff;
	[tilespmem:s7+$0xFFFFFFB0] =	vst v0  }
0x215: {  	v0 =	vld.idx.msk [tilespmem:v10+s22+$0x0], $0xffff;
	[tilespmem:s7+$0xFFFFFFC0] =	vst v3  }
0x216: {  	v2 =	vld.idx.msk [tilespmem:v12+s22+$0x0], $0xffff;
	[tilespmem:s7+$0xFFFFFFD0] =	vst v4  }
0x217: {  	[tilespmem:s7+$0xFFFFFFE0] =	vst v5;
	v3 =	vld.idx.msk [tilespmem:v13+s22+$0x0], $0xffff  }
0x218: {  	[tilespmem:s7+$0xFFFFFFF0] =	vst v6;
	v4 =	vld.idx.msk [tilespmem:v14+s22+$0x0], $0xffff  }
0x219: {  	s8 =	simm.s32 $0x0;
	s25 =	simm.s32 $0x280;
	[tilespmem:s7+$0x0] =	vst v7;
	v5 =	vld.idx.msk [tilespmem:v56+s22+$0x0], $0xffff  }
.LBB2_10:
0x21a: {  	v6 =	vld [tilespmem:s25+$0x70];
	s8 =	sadd.s32 $0x10, s8;
	[tilespmem:s7+$0x10] =	vst v0  }
0x21b: {  	v0 =	vld [tilespmem:s25+$0xFFFFFF90];
	p0 =	slt.u32 s8, $0x4F0;
	[tilespmem:s7+$0x20] =	vst v1  }
0x21c: {  	v1 =	vld [tilespmem:s25+$0xFFFFFFA0];
	[tilespmem:s7+$0x30] =	vst v2  }
0x21d: {  	v2 =	vld [tilespmem:s25+$0xFFFFFFB0];
	[tilespmem:s7+$0x40] =	vst v3  }
0x21e: {  	v3 =	vld [tilespmem:s25+$0xFFFFFFC0];
	[tilespmem:s7+$0x50] =	vst v4  }
0x21f: {  	v4 =	vld [tilespmem:s25+$0xFFFFFFD0];
	[tilespmem:s7+$0x60] =	vst v5  }
0x220: {  	v5 =	vld [tilespmem:s25+$0xFFFFFFE0]  }
0x221: {  	v7 =	vld [tilespmem:s25+$0xFFFFFFF0]  }
0x222: {  	v8 =	vld.idx.msk [tilespmem:v6+s3+$0x0], $0xffff  }
0x223: {  	v9 =	vld [tilespmem:s25+$0x0]  }
0x224: {  	v10 =	vld [tilespmem:s25+$0x10]  }
0x225: {  	v11 =	vld [tilespmem:s25+$0x20]  }
0x226: {  	v12 =	vld [tilespmem:s25+$0x30]  }
0x227: {  	s6 =	sadd.s32 $0x100, s6;
	v13 =	vld [tilespmem:s25+$0x40]  }
0x228: {  	v14 =	vld [tilespmem:s25+$0x50];
	[tilespmem:s6+$0x70] =	vst v8  }
0x229: {  	v6 =	vld.idx.msk [tilespmem:v6+s22+$0x0], $0xffff  }
0x22a: {  	v8 =	vld [tilespmem:s25+$0x60]  }
0x22b: {  	v15 =	vld [tilespmem:s25+$0xFFFFFF80]  }
0x22c: {  	v16 =	vld.idx.msk [tilespmem:v0+s3+$0x0], $0xffff  }
0x22d: {  	v17 =	vld.idx.msk [tilespmem:v1+s3+$0x0], $0xffff  }
0x22e: {  	s7 =	sadd.s32 $0x100, s7;
	v18 =	vld.idx.msk [tilespmem:v2+s3+$0x0], $0xffff  }
0x22f: {  	v19 =	vld.idx.msk [tilespmem:v3+s3+$0x0], $0xffff;
	[tilespmem:s7+$0x70] =	vst v6  }
0x230: {  	v6 =	vld.idx.msk [tilespmem:v4+s3+$0x0], $0xffff  }
0x231: {  	v20 =	vld.idx.msk [tilespmem:v5+s3+$0x0], $0xffff  }
0x232: {  	[tilespmem:s6+$0xFFFFFF90] =	vst v16;
	v16 =	vld.idx.msk [tilespmem:v7+s3+$0x0], $0xffff  }
0x233: {  	v21 =	vld.idx.msk [tilespmem:v15+s3+$0x0], $0xffff;
	[tilespmem:s6+$0xFFFFFFA0] =	vst v17  }
0x234: {  	[tilespmem:s6+$0xFFFFFFB0] =	vst v18;
	v17 =	vld.idx.msk [tilespmem:v9+s3+$0x0], $0xffff  }
0x235: {  	[tilespmem:s6+$0xFFFFFFC0] =	vst v19;
	v18 =	vld.idx.msk [tilespmem:v10+s3+$0x0], $0xffff  }
0x236: {  	[tilespmem:s6+$0xFFFFFFD0] =	vst v6;
	v6 =	vld.idx.msk [tilespmem:v11+s3+$0x0], $0xffff  }
0x237: {  	[tilespmem:s6+$0xFFFFFFE0] =	vst v20;
	v19 =	vld.idx.msk [tilespmem:v12+s3+$0x0], $0xffff  }
0x238: {  	[tilespmem:s6+$0xFFFFFFF0] =	vst v16;
	v16 =	vld.idx.msk [tilespmem:v13+s3+$0x0], $0xffff  }
0x239: {  	[tilespmem:s6+$0xFFFFFF80] =	vst v21;
	v20 =	vld.idx.msk [tilespmem:v14+s3+$0x0], $0xffff  }
0x23a: {  	[tilespmem:s6+$0x0] =	vst v17;
	v17 =	vld.idx.msk [tilespmem:v8+s3+$0x0], $0xffff  }
0x23b: {  	v15 =	vld.idx.msk [tilespmem:v15+s22+$0x0], $0xffff;
	[tilespmem:s6+$0x10] =	vst v18  }
0x23c: {  	v0 =	vld.idx.msk [tilespmem:v0+s22+$0x0], $0xffff;
	[tilespmem:s6+$0x20] =	vst v6  }
0x23d: {  	v1 =	vld.idx.msk [tilespmem:v1+s22+$0x0], $0xffff;
	[tilespmem:s6+$0x30] =	vst v19  }
0x23e: {  	v2 =	vld.idx.msk [tilespmem:v2+s22+$0x0], $0xffff;
	[tilespmem:s6+$0x40] =	vst v16  }
0x23f: {  	v3 =	vld.idx.msk [tilespmem:v3+s22+$0x0], $0xffff;
	[tilespmem:s6+$0x50] =	vst v20  }
0x240: {  	v4 =	vld.idx.msk [tilespmem:v4+s22+$0x0], $0xffff;
	[tilespmem:s6+$0x60] =	vst v17  }
0x241: {  	[tilespmem:s7+$0xFFFFFF80] =	vst v15;
	v5 =	vld.idx.msk [tilespmem:v5+s22+$0x0], $0xffff  }
0x242: {  	[tilespmem:s7+$0xFFFFFF90] =	vst v0;
	v6 =	vld.idx.msk [tilespmem:v7+s22+$0x0], $0xffff  }
0x243: {  	[tilespmem:s7+$0xFFFFFFA0] =	vst v1;
	v7 =	vld.idx.msk [tilespmem:v9+s22+$0x0], $0xffff  }
0x244: {  	[tilespmem:s7+$0xFFFFFFB0] =	vst v2;
	v0 =	vld.idx.msk [tilespmem:v10+s22+$0x0], $0xffff  }
.Ltmp4:
0x245: {  	[tilespmem:s7+$0xFFFFFFC0] =	vst v3;
	v1 =	vld.idx.msk [tilespmem:v11+s22+$0x0], $0xffff;
	(pc) =	sbr.rel @p0 .LBB2_10-.Ltmp4, $4  }
0x246: {  	[tilespmem:s7+$0xFFFFFFD0] =	vst v4;
	v2 =	vld.idx.msk [tilespmem:v12+s22+$0x0], $0xffff  }
0x247: {  	[tilespmem:s7+$0xFFFFFFE0] =	vst v5;
	v3 =	vld.idx.msk [tilespmem:v13+s22+$0x0], $0xffff  }
0x248: {  	[tilespmem:s7+$0xFFFFFFF0] =	vst v6;
	v4 =	vld.idx.msk [tilespmem:v14+s22+$0x0], $0xffff  }
0x249: {  	s25 =	sadd.s32 $0x100, s25;
	[tilespmem:s7+$0x0] =	vst v7;
	v5 =	vld.idx.msk [tilespmem:v8+s22+$0x0], $0xffff  }
0x24a: {  	[tilespmem:s7+$0x10] =	vst v0  }
0x24b: {  	[tilespmem:s7+$0x20] =	vst v1  }
0x24c: {  	[tilespmem:s7+$0x30] =	vst v2  }
0x24d: {  	[tilespmem:s7+$0x40] =	vst v3  }
0x24e: {  	[tilespmem:s7+$0x50] =	vst v4  }
0x24f: {  	[tilespmem:s7+$0x60] =	vst v5  }
0x250: {  	[hbm4b:s18+s3] =	stream.linear.scatter [tilespmem:s26], [sflag:$0x3], $0x5000, $0x38;
	[tilespmem:$0x1E100] =	vst v63  }
0x251: {  	_ = 	snop  }
0x252: {  	[hbm4b:s19+s3] =	stream.linear.scatter [tilespmem:s28], [sflag:$0x5], $0x5000, $0x38;
	[tilespmem:$0x1E100] =	vst v63  }
0x253: {  	_ =	swait.ge [sflag:s0], $0x5000  }
0x254: {  	[sflag:s0] =	ssyncset.done $0x0  }
0x255: {  	[sflag:s0] =	ssyncadd.s32 $0xFFFFB000  }
0x256: {  	_ =	swait.ge [sflag:s1], $0x5000  }
0x257: {  	[sflag:s1] =	ssyncset.done $0x0  }
0x258: {  	s5 =	sadd.s32 $0x1, s5;
	[sflag:s1] =	ssyncadd.s32 $0xFFFFB000  }
0x259: {  	p0 =	sne.s32 s5, s20;
	_ =	swait.ge [sflag:s2], $0x5000  }
.Ltmp5:
0x25a: {  	[sflag:s2] =	ssyncset.done $0x0;
	(pc) =	sbr.rel @p0 .LBB2_1-.Ltmp5, $4  }
0x25b: {  	[sflag:s2] =	ssyncadd.s32 $0xFFFFB000  }
0x25c: {  	_ =	swait.ge [sflag:s4], $0x5000  }
0x25d: {  	[sflag:s4] =	ssyncset.done $0x0  }
0x25e: {  	[sflag:s4] =	ssyncadd.s32 $0xFFFFB000  }
0x25f: {  	_ =	sfence.sel $0x180000  }
0x260: {  	[bflag:$0x0] =	sbarrier.arrive $0xFFFF  }
0x261: {  	_ =	strace $0x90000047  }
0x262: {  	s0 =	stileid.u32;
	[bflag:$0x2] =	sbarrier.arrive $0xFFFF  }
0x263: {  	p0 =	sne.s32 s0, $0x0;
	s0 =	rddreg [dreg:$0x3]  }
0x264: {  	s0 =	sadd.s32 @!p0 $0x100000, s0  }
0x265: {  	[sflag:s0] =	ssyncadd.tile.s32 @!p0 $0x1;
	_ =	shalt  }
.Lfunc_end2:
_tile_overlayer_lowered:
.L_overlay_start_2:
0x266: {  	(tag) =	ssettag $0x2  }
0x267: {  	s0 =	rddreg [dreg:$0x0];
	s2 =	stileid.u32  }
0x268: {  	s1 =	rddreg [dreg:$0x1];
	p0 =	sne.s32 s2, $0x0  }
0x269: {  	s3 =	rddreg [dreg:$0x2];
	[bflag:$0x3] =	sbarrier.arrive $0xFFFF;
	s2 =	simm.s32 @!p0 $0x1C07  }
0x26a: {  	[timem:s3], [sflag:s2] =	dma.local @!p0 [hbm:s0], s1  }
0x26b: {  	s0 =	simm.s32 @!p0 $0x7  }
0x26c: {  	_ =	swait.ge @!p0 [sflag:s0], s1  }
0x26d: {  	s1 =	ssub.s32 @!p0 $0x0, s1;
	[sflag:s0] =	ssyncset.done @!p0 $0x0  }
0x26e: {  	[sflag:s0] =	ssyncadd.s32 @!p0 s1  }
0x26f: {  	[bflag:$0x3] =	sbarrier.arrive $0xFFFF  }
0x270: {  	_ =	shalt  }

</sc_bundles>
